<compile_context>
chip_gen: v7x
topology: tpu7x:2x2x1
jax: 0.10.2.dev20260603
libtpu: 0.0.44.dev20260713+nightly
codegen_flags: <defaults>
</compile_context>

<pallas_src>
import functools

import jax
import jax.numpy as jnp
from jax import lax
from jax.experimental import pallas as pl
from jax.experimental.pallas import tpu as pltpu
from jax.experimental.pallas import tpu_sc as plsc

NC = 2
NS = 16
CH = 120
KW = 6
TRASH = 8


def _sc_aggregate(n_nodes, d, n_win):
    chunk = (n_nodes // NS) // 8 * 8
    last = n_nodes - (NS - 1) * chunk
    n_grp = n_win // KW
    mesh = plsc.VectorSubcoreMesh(
        core_axis_name="c", subcore_axis_name="s", num_cores=NC,
        num_subcores=NS)

    @functools.partial(
        pl.kernel,
        out_type=jax.ShapeDtypeStruct((NC, n_nodes, d), jnp.float32),
        mesh=mesh,
        scratch_types=[
            pltpu.VMEM((KW, CH), jnp.int32),
            pltpu.VMEM((KW, CH), jnp.int32),
            pltpu.VMEM((KW, CH), jnp.int32),
            pltpu.VMEM((KW, CH), jnp.int32),
            pltpu.VMEM((CH, d), jnp.float32),
            pltpu.VMEM((CH, d), jnp.float32),
            pltpu.VMEM((CH, d), jnp.float32),
            pltpu.SemaphoreType.DMA,
            pltpu.SemaphoreType.DMA,
            pltpu.SemaphoreType.DMA,
            pltpu.SemaphoreType.DMA,
            pltpu.VMEM_SHARED((n_nodes + TRASH, d), jnp.float32),
        ],
        compiler_params=pltpu.CompilerParams(use_tc_tiling_on_sc=False),
    )
    def sc_kernel(nodes_hbm, a_hbm, b_hbm, out_hbm, a_va, b_va, a_vb, b_vb,
                  r0_v, r1_v, r2_v, sem0, sem1, sem2, sem_i, agg_sh):
        cid = lax.axis_index("c")
        sid = lax.axis_index("s")
        rings = [(r0_v, sem0), (r1_v, sem1), (r2_v, sem2)]

        def zero_row(i, carry):
            z = jnp.zeros((16,), jnp.float32)
            for jj in range(d // 16):
                r0_v[i, pl.ds(jj * 16, 16)] = z
            return carry
        lax.fori_loop(0, CH, zero_row, 0)

        base = pl.multiple_of(sid * chunk, 8)

        def zero_span(start, count):
            full, rem = divmod(count, CH)
            for t in range(full):
                pltpu.sync_copy(r0_v, agg_sh.at[pl.ds(start + t * CH, CH)])
            if rem:
                pltpu.sync_copy(r0_v.at[pl.ds(0, rem)],
                                agg_sh.at[pl.ds(start + full * CH, rem)])

        @pl.when(sid < NS - 1)
        def _():
            zero_span(base, chunk)

        @pl.when(sid == NS - 1)
        def _():
            zero_span(base, last + TRASH)

        plsc.subcore_barrier()

        def stage_idx(g, a_v, b_v):
            goff = pl.multiple_of(g * KW, KW)
            pltpu.async_copy(a_hbm.at[cid, sid, pl.ds(goff, KW)], a_v, sem_i)
            pltpu.async_copy(b_hbm.at[cid, sid, pl.ds(goff, KW)], b_v, sem_i)

        def wait_idx(a_v, b_v):
            pltpu.make_async_copy(a_hbm.at[cid, sid, pl.ds(0, KW)], a_v,
                                  sem_i).wait()
            pltpu.make_async_copy(b_hbm.at[cid, sid, pl.ds(0, KW)], b_v,
                                  sem_i).wait()

        def gather(b_v, j, buf, sem):
            pltpu.async_copy(nodes_hbm.at[b_v.at[j]], buf, sem)

        def process_group(a_v, b_v, a_nxt, b_nxt, has_next):
            for j in range(KW):
                nxt = j + 2
                nbuf, nsem = rings[nxt % 3]
                if nxt < KW:
                    gather(b_v, nxt, nbuf, nsem)
                elif nxt == KW:
                    @pl.when(has_next)
                    def _():
                        wait_idx(a_nxt, b_nxt)
                        gather(b_nxt, 0, nbuf, nsem)
                else:
                    @pl.when(has_next)
                    def _():
                        gather(b_nxt, 1, nbuf, nsem)
                buf, sem = rings[j % 3]
                pltpu.make_async_copy(nodes_hbm.at[pl.ds(0, CH)], buf,
                                      sem).wait()
                pltpu.sync_copy(buf, agg_sh.at[a_v.at[j]], add=True)

        stage_idx(0, a_va, b_va)
        wait_idx(a_va, b_va)
        gather(b_va, 0, r0_v, sem0)
        gather(b_va, 1, r1_v, sem1)

        def outer(g, carry):
            @pl.when(g % 2 == 0)
            def _():
                @pl.when(g + 1 < n_grp)
                def _():
                    stage_idx(g + 1, a_vb, b_vb)
                process_group(a_va, b_va, a_vb, b_vb, g + 1 < n_grp)

            @pl.when(g % 2 == 1)
            def _():
                @pl.when(g + 1 < n_grp)
                def _():
                    stage_idx(g + 1, a_va, b_va)
                process_group(a_vb, b_vb, a_va, b_va, g + 1 < n_grp)
            return carry
        lax.fori_loop(0, n_grp, outer, 0)

        plsc.subcore_barrier()

        @pl.when(sid < NS - 1)
        def _():
            pltpu.sync_copy(agg_sh.at[pl.ds(base, chunk)],
                            out_hbm.at[cid, pl.ds(base, chunk)])

        @pl.when(sid == NS - 1)
        def _():
            pltpu.sync_copy(agg_sh.at[pl.ds(base, last)],
                            out_hbm.at[cid, pl.ds(base, last)])

    return sc_kernel


def _dense_body(p_ref, x_ref, dn_ref, nn_ref, w_ref, o_ref):
    agg = p_ref[0] + p_ref[1]
    h = agg * nn_ref[...] + x_ref[...] * dn_ref[...]
    o_ref[...] = jnp.maximum(
        jnp.dot(h, w_ref[...].T, preferred_element_type=jnp.float32), 0.0)


def kernel(nodes, edge_index, degrees, normalizers, W):
    n, d = nodes.shape
    e = edge_index.shape[0]

    src = edge_index[:, 0]
    dst = edge_index[:, 1]
    e2 = 2 * e
    n_win = -(-e2 // (NC * NS * CH))
    n_win = -(-n_win // KW) * KW
    pad = NC * NS * n_win * CH - e2
    pad_ar = jnp.arange(pad, dtype=jnp.int32)
    a_idx = jnp.concatenate([src, dst, n + (pad_ar % TRASH)])
    b_idx = jnp.concatenate([dst, src, pad_ar % n])
    a_idx = a_idx.reshape(NC, NS, n_win, CH)
    b_idx = b_idx.reshape(NC, NS, n_win, CH)

    partials = _sc_aggregate(n, d, n_win)(nodes, a_idx, b_idx)

    inv_deg = (1.0 / degrees).reshape(n, 1)
    inv_norm = (1.0 / normalizers).reshape(n, 1)

    out = pl.pallas_call(
        _dense_body,
        out_shape=jax.ShapeDtypeStruct((n, d), jnp.float32),
    )(partials, nodes, inv_deg, inv_norm, W)
    return out

# --- scband reference (transcript-rebuilt; emitter-appended) ---
"""Pipeline reference for scband-gcn-layer-12678743458315 (READ-ONLY COPY).

The authoritative reference and input builder live on the scoring server;
editing this copy changes nothing except your own understanding.
"""

import jax, jax.numpy as jnp
import numpy as np

N = 10000
E = 320000
D = 128

def setup_inputs(seed: int = 0) -> dict:
    key = jax.random.key(seed)
    k1, k2, k3, k4, k5 = jax.random.split(key, 5)
    nodes = jax.random.normal(k1, (N, D), dtype=jnp.float32)
    edge_index = jax.random.randint(k2, (E, 2), 0, N, dtype=jnp.int32)
    # degrees/normalizers are positive per-node scalars (avoid division blowup)
    degrees = jax.random.uniform(k3, (N,), minval=1.0, maxval=32.0, dtype=jnp.float32)
    normalizers = jax.random.uniform(k4, (N,), minval=1.0, maxval=32.0, dtype=jnp.float32)
    W = jax.random.normal(k5, (D, D), dtype=jnp.float32) * (1.0 / np.sqrt(D))
    return {"nodes": nodes, "edge_index": edge_index, "degrees": degrees,
            "normalizers": normalizers, "W": W}

def reference(nodes, edge_index, degrees, normalizers, W):
    # neighbors[i] = {dst of edges with src==i} union {src of edges with dst==i}
    # out[i] = sum_j nodes[neighbors[i][j]] / normalizers[i] + nodes[i] / degrees[i]
    src = edge_index[:, 0]
    dst = edge_index[:, 1]
    agg = jnp.zeros_like(nodes)
    agg = agg.at[src].add(nodes[dst])   # gather dst features, scatter-add to src
    agg = agg.at[dst].add(nodes[src])   # gather src features, scatter-add to dst
    out = agg / normalizers[:, None] + nodes / degrees[:, None]
    out = out @ W.T                      # nn.Linear(bias=False)
    out = jax.nn.relu(out)
    # dropout: identity (p=0.0 / eval mode for deterministic reference)
    return out

if __name__ == "__main__":
    import jax
    _d = setup_inputs()
    print(jax.jit(kernel)(*tuple(_d.values())))

</pallas_src>

<mosaic_0001>
#map = affine_map<(d0, d1) -> (0, 0)>
#map1 = affine_map<(d0, d1) -> (0, 0, 0, 0)>
#map2 = affine_map<(d0, d1) -> (0, 0, 0)>
module attributes {stable_mosaic.version = 14 : i64} {
  func.func @sc_kernel(%arg0: i32, %arg1: i32, %arg2: memref<10000x128xf32, #tpu.memory_space<hbm>>, %arg3: memref<2x16x168x120xi32, #tpu.memory_space<hbm>>, %arg4: memref<2x16x168x120xi32, #tpu.memory_space<hbm>>, %arg5: memref<2x10000x128xf32, #tpu.memory_space<hbm>>, %arg6: memref<6x120xi32, #tpu.memory_space<vmem>>, %arg7: memref<6x120xi32, #tpu.memory_space<vmem>>, %arg8: memref<6x120xi32, #tpu.memory_space<vmem>>, %arg9: memref<6x120xi32, #tpu.memory_space<vmem>>, %arg10: memref<120x128xf32, #tpu.memory_space<vmem>>, %arg11: memref<120x128xf32, #tpu.memory_space<vmem>>, %arg12: memref<120x128xf32, #tpu.memory_space<vmem>>, %arg13: memref<!tpu.dma_semaphore, #tpu.memory_space<semaphore_mem>>, %arg14: memref<!tpu.dma_semaphore, #tpu.memory_space<semaphore_mem>>, %arg15: memref<!tpu.dma_semaphore, #tpu.memory_space<semaphore_mem>>, %arg16: memref<!tpu.dma_semaphore, #tpu.memory_space<semaphore_mem>>, %arg17: memref<10008x128xf32, #tpu.memory_space<vmem_shared>>) attributes {dimension_semantics = [#tpu.dimension_semantics<core_parallel>, #tpu.dimension_semantics<subcore_parallel>], iteration_bounds = array<i64: 2, 16>, scalar_prefetch = 0 : i64, scratch_operands = 12 : i64, tpu.core_type = #tpu.core_type<sc_vector_subcore>, window_params = [{transform_indices = #map}, {transform_indices = #map1}, {transform_indices = #map1}, {transform_indices = #map2}]} {
    %scan3A = arith.constant 0 : i32
    %scan3A_0 = arith.constant 0 : i32
    %scan3A_1 = arith.constant 120 : i32
    %scan3A_2 = arith.addi %scan3A_0, %scan3A_1 : i32
    %scan3A_3 = arith.constant 1 : i32
    scf.for %scan3A_71 = %scan3A_0 to %scan3A_2 step %scan3A_3  : i32 {
      %broadcast_in_dim3A = arith.constant 0.000000e+00 : f32
      %broadcast_in_dim3A_72 = vector.broadcast %broadcast_in_dim3A : f32 to vector<16xf32>
      %swap3A = arith.index_cast %scan3A_71 : i32 to index
      %swap3A_73 = arith.constant 0 : index
      %swap3A_74 = tpu.vector_load %arg10[%swap3A, %swap3A_73] {strides = array<i32>} : memref<120x128xf32, #tpu.memory_space<vmem>>, vector<1x16xf32>,
      %swap3A_75 = vector.shape_cast %swap3A_74 : vector<1x16xf32> to vector<16xf32>
      %swap3A_76 = vector.shape_cast %broadcast_in_dim3A_72 : vector<16xf32> to vector<1x16xf32>
      tpu.vector_store %arg10[%swap3A, %swap3A_73], %swap3A_76 {strides = array<i32>} : memref<120x128xf32, #tpu.memory_space<vmem>>, vector<1x16xf32>,
      %swap3A_77 = arith.index_cast %scan3A_71 : i32 to index
      %swap3A_78 = arith.constant 16 : index
      %swap3A_79 = tpu.vector_load %arg10[%swap3A_77, %swap3A_78] {strides = array<i32>} : memref<120x128xf32, #tpu.memory_space<vmem>>, vector<1x16xf32>,
      %swap3A_80 = vector.shape_cast %swap3A_79 : vector<1x16xf32> to vector<16xf32>
      %swap3A_81 = vector.shape_cast %broadcast_in_dim3A_72 : vector<16xf32> to vector<1x16xf32>
      tpu.vector_store %arg10[%swap3A_77, %swap3A_78], %swap3A_81 {strides = array<i32>} : memref<120x128xf32, #tpu.memory_space<vmem>>, vector<1x16xf32>,
      %swap3A_82 = arith.index_cast %scan3A_71 : i32 to index
      %swap3A_83 = arith.constant 32 : index
      %swap3A_84 = tpu.vector_load %arg10[%swap3A_82, %swap3A_83] {strides = array<i32>} : memref<120x128xf32, #tpu.memory_space<vmem>>, vector<1x16xf32>,
      %swap3A_85 = vector.shape_cast %swap3A_84 : vector<1x16xf32> to vector<16xf32>
      %swap3A_86 = vector.shape_cast %broadcast_in_dim3A_72 : vector<16xf32> to vector<1x16xf32>
      tpu.vector_store %arg10[%swap3A_82, %swap3A_83], %swap3A_86 {strides = array<i32>} : memref<120x128xf32, #tpu.memory_space<vmem>>, vector<1x16xf32>,
      %swap3A_87 = arith.index_cast %scan3A_71 : i32 to index
      %swap3A_88 = arith.constant 48 : index
      %swap3A_89 = tpu.vector_load %arg10[%swap3A_87, %swap3A_88] {strides = array<i32>} : memref<120x128xf32, #tpu.memory_space<vmem>>, vector<1x16xf32>,
      %swap3A_90 = vector.shape_cast %swap3A_89 : vector<1x16xf32> to vector<16xf32>
      %swap3A_91 = vector.shape_cast %broadcast_in_dim3A_72 : vector<16xf32> to vector<1x16xf32>
      tpu.vector_store %arg10[%swap3A_87, %swap3A_88], %swap3A_91 {strides = array<i32>} : memref<120x128xf32, #tpu.memory_space<vmem>>, vector<1x16xf32>,
      %swap3A_92 = arith.index_cast %scan3A_71 : i32 to index
      %swap3A_93 = arith.constant 64 : index
      %swap3A_94 = tpu.vector_load %arg10[%swap3A_92, %swap3A_93] {strides = array<i32>} : memref<120x128xf32, #tpu.memory_space<vmem>>, vector<1x16xf32>,
      %swap3A_95 = vector.shape_cast %swap3A_94 : vector<1x16xf32> to vector<16xf32>
      %swap3A_96 = vector.shape_cast %broadcast_in_dim3A_72 : vector<16xf32> to vector<1x16xf32>
      tpu.vector_store %arg10[%swap3A_92, %swap3A_93], %swap3A_96 {strides = array<i32>} : memref<120x128xf32, #tpu.memory_space<vmem>>, vector<1x16xf32>,
      %swap3A_97 = arith.index_cast %scan3A_71 : i32 to index
      %swap3A_98 = arith.constant 80 : index
      %swap3A_99 = tpu.vector_load %arg10[%swap3A_97, %swap3A_98] {strides = array<i32>} : memref<120x128xf32, #tpu.memory_space<vmem>>, vector<1x16xf32>,
      %swap3A_100 = vector.shape_cast %swap3A_99 : vector<1x16xf32> to vector<16xf32>
      %swap3A_101 = vector.shape_cast %broadcast_in_dim3A_72 : vector<16xf32> to vector<1x16xf32>
      tpu.vector_store %arg10[%swap3A_97, %swap3A_98], %swap3A_101 {strides = array<i32>} : memref<120x128xf32, #tpu.memory_space<vmem>>, vector<1x16xf32>,
      %swap3A_102 = arith.index_cast %scan3A_71 : i32 to index
      %swap3A_103 = arith.constant 96 : index
      %swap3A_104 = tpu.vector_load %arg10[%swap3A_102, %swap3A_103] {strides = array<i32>} : memref<120x128xf32, #tpu.memory_space<vmem>>, vector<1x16xf32>,
      %swap3A_105 = vector.shape_cast %swap3A_104 : vector<1x16xf32> to vector<16xf32>
      %swap3A_106 = vector.shape_cast %broadcast_in_dim3A_72 : vector<16xf32> to vector<1x16xf32>
      tpu.vector_store %arg10[%swap3A_102, %swap3A_103], %swap3A_106 {strides = array<i32>} : memref<120x128xf32, #tpu.memory_space<vmem>>, vector<1x16xf32>,
      %swap3A_107 = arith.index_cast %scan3A_71 : i32 to index
      %swap3A_108 = arith.constant 112 : index
      %swap3A_109 = tpu.vector_load %arg10[%swap3A_107, %swap3A_108] {strides = array<i32>} : memref<120x128xf32, #tpu.memory_space<vmem>>, vector<1x16xf32>,
      %swap3A_110 = vector.shape_cast %swap3A_109 : vector<1x16xf32> to vector<16xf32>
      %swap3A_111 = vector.shape_cast %broadcast_in_dim3A_72 : vector<16xf32> to vector<1x16xf32>
      tpu.vector_store %arg10[%swap3A_107, %swap3A_108], %swap3A_111 {strides = array<i32>} : memref<120x128xf32, #tpu.memory_space<vmem>>, vector<1x16xf32>,
    }
    %scan3A_4 = arith.constant 120 : i32
    %mul3A = arith.constant 624 : i32
    %mul3A_5 = arith.muli %arg1, %mul3A : i32
    %multiple_of3A = tpu.assume_multiple %mul3A_5, 8 : i32
    %lt3A = arith.constant 15 : i32
    %lt3A_6 = arith.cmpi slt, %arg1, %lt3A : i32
    %convert_element_type3A = arith.extui %lt3A_6 : i1 to i32
    %cond3A = arith.constant 0 : i32
    %cond3A_7 = arith.cmpi ne, %convert_element_type3A, %cond3A : i32
    scf.if %cond3A_7 {
      %add3A = arith.constant 0 : i32
      %add3A_71 = arith.addi %multiple_of3A, %add3A : i32
      "tpu.region"() ({
        %run_scoped3A = tpu.sem_alloc : memref<!tpu.dma_semaphore, #tpu.memory_space<semaphore_mem>>
        %dma_start3A_82 = arith.constant 0 : i32
        %dma_start3A_83 = tpu.memref_slice %arg17[%add3A_71, %dma_start3A_82] : memref<10008x128xf32, #tpu.memory_space<vmem_shared>> -> memref<120x128xf32, #tpu.memory_space<vmem_shared>>
        %dma_start3A_84 = arith.constant 0 : i32
        %dma_start3A_85 = tpu.memref_slice %arg17[%add3A_71, %dma_start3A_84] : memref<10008x128xf32, #tpu.memory_space<vmem_shared>> -> memref<120x128xf32, #tpu.memory_space<vmem_shared>>
        tpu.enqueue_dma source(%arg10 : memref<120x128xf32, #tpu.memory_space<vmem>>) target(%dma_start3A_85 : memref<120x128xf32, #tpu.memory_space<vmem_shared>>) target_semaphore(%run_scoped3A : memref<!tpu.dma_semaphore, #tpu.memory_space<semaphore_mem>>)
        %dma_wait3A_86 = arith.constant 0 : i32
        %dma_wait3A_87 = tpu.memref_slice %arg17[%add3A_71, %dma_wait3A_86] : memref<10008x128xf32, #tpu.memory_space<vmem_shared>> -> memref<120x128xf32, #tpu.memory_space<vmem_shared>>
        %dma_wait3A_88 = arith.constant 0 : i32
        %dma_wait3A_89 = tpu.memref_slice %arg17[%add3A_71, %dma_wait3A_88] : memref<10008x128xf32, #tpu.memory_space<vmem_shared>> -> memref<120x128xf32, #tpu.memory_space<vmem_shared>>
        tpu.wait_dma2 semaphore(%run_scoped3A : memref<!tpu.dma_semaphore, #tpu.memory_space<semaphore_mem>>) src(%arg10 : memref<120x128xf32, #tpu.memory_space<vmem>>) dst(%dma_wait3A_89 : memref<120x128xf32, #tpu.memory_space<vmem_shared>>)
        tpu.yield
      }) : () -> ()
      %add3A_72 = arith.constant 120 : i32
      %add3A_73 = arith.addi %multiple_of3A, %add3A_72 : i32
      "tpu.region"() ({
        %run_scoped3A = tpu.sem_alloc : memref<!tpu.dma_semaphore, #tpu.memory_space<semaphore_mem>>
        %dma_start3A_82 = arith.constant 0 : i32
        %dma_start3A_83 = tpu.memref_slice %arg17[%add3A_73, %dma_start3A_82] : memref<10008x128xf32, #tpu.memory_space<vmem_shared>> -> memref<120x128xf32, #tpu.memory_space<vmem_shared>>
        %dma_start3A_84 = arith.constant 0 : i32
        %dma_start3A_85 = tpu.memref_slice %arg17[%add3A_73, %dma_start3A_84] : memref<10008x128xf32, #tpu.memory_space<vmem_shared>> -> memref<120x128xf32, #tpu.memory_space<vmem_shared>>
        tpu.enqueue_dma source(%arg10 : memref<120x128xf32, #tpu.memory_space<vmem>>) target(%dma_start3A_85 : memref<120x128xf32, #tpu.memory_space<vmem_shared>>) target_semaphore(%run_scoped3A : memref<!tpu.dma_semaphore, #tpu.memory_space<semaphore_mem>>)
        %dma_wait3A_86 = arith.constant 0 : i32
        %dma_wait3A_87 = tpu.memref_slice %arg17[%add3A_73, %dma_wait3A_86] : memref<10008x128xf32, #tpu.memory_space<vmem_shared>> -> memref<120x128xf32, #tpu.memory_space<vmem_shared>>
        %dma_wait3A_88 = arith.constant 0 : i32
        %dma_wait3A_89 = tpu.memref_slice %arg17[%add3A_73, %dma_wait3A_88] : memref<10008x128xf32, #tpu.memory_space<vmem_shared>> -> memref<120x128xf32, #tpu.memory_space<vmem_shared>>
        tpu.wait_dma2 semaphore(%run_scoped3A : memref<!tpu.dma_semaphore, #tpu.memory_space<semaphore_mem>>) src(%arg10 : memref<120x128xf32, #tpu.memory_space<vmem>>) dst(%dma_wait3A_89 : memref<120x128xf32, #tpu.memory_space<vmem_shared>>)
        tpu.yield
      }) : () -> ()
      %add3A_74 = arith.constant 240 : i32
      %add3A_75 = arith.addi %multiple_of3A, %add3A_74 : i32
      "tpu.region"() ({
        %run_scoped3A = tpu.sem_alloc : memref<!tpu.dma_semaphore, #tpu.memory_space<semaphore_mem>>
        %dma_start3A_82 = arith.constant 0 : i32
        %dma_start3A_83 = tpu.memref_slice %arg17[%add3A_75, %dma_start3A_82] : memref<10008x128xf32, #tpu.memory_space<vmem_shared>> -> memref<120x128xf32, #tpu.memory_space<vmem_shared>>
        %dma_start3A_84 = arith.constant 0 : i32
        %dma_start3A_85 = tpu.memref_slice %arg17[%add3A_75, %dma_start3A_84] : memref<10008x128xf32, #tpu.memory_space<vmem_shared>> -> memref<120x128xf32, #tpu.memory_space<vmem_shared>>
        tpu.enqueue_dma source(%arg10 : memref<120x128xf32, #tpu.memory_space<vmem>>) target(%dma_start3A_85 : memref<120x128xf32, #tpu.memory_space<vmem_shared>>) target_semaphore(%run_scoped3A : memref<!tpu.dma_semaphore, #tpu.memory_space<semaphore_mem>>)
        %dma_wait3A_86 = arith.constant 0 : i32
        %dma_wait3A_87 = tpu.memref_slice %arg17[%add3A_75, %dma_wait3A_86] : memref<10008x128xf32, #tpu.memory_space<vmem_shared>> -> memref<120x128xf32, #tpu.memory_space<vmem_shared>>
        %dma_wait3A_88 = arith.constant 0 : i32
        %dma_wait3A_89 = tpu.memref_slice %arg17[%add3A_75, %dma_wait3A_88] : memref<10008x128xf32, #tpu.memory_space<vmem_shared>> -> memref<120x128xf32, #tpu.memory_space<vmem_shared>>
        tpu.wait_dma2 semaphore(%run_scoped3A : memref<!tpu.dma_semaphore, #tpu.memory_space<semaphore_mem>>) src(%arg10 : memref<120x128xf32, #tpu.memory_space<vmem>>) dst(%dma_wait3A_89 : memref<120x128xf32, #tpu.memory_space<vmem_shared>>)
        tpu.yield
      }) : () -> ()
      %add3A_76 = arith.constant 360 : i32
      %add3A_77 = arith.addi %multiple_of3A, %add3A_76 : i32
      "tpu.region"() ({
        %run_scoped3A = tpu.sem_alloc : memref<!tpu.dma_semaphore, #tpu.memory_space<semaphore_mem>>
        %dma_start3A_82 = arith.constant 0 : i32
        %dma_start3A_83 = tpu.memref_slice %arg17[%add3A_77, %dma_start3A_82] : memref<10008x128xf32, #tpu.memory_space<vmem_shared>> -> memref<120x128xf32, #tpu.memory_space<vmem_shared>>
        %dma_start3A_84 = arith.constant 0 : i32
        %dma_start3A_85 = tpu.memref_slice %arg17[%add3A_77, %dma_start3A_84] : memref<10008x128xf32, #tpu.memory_space<vmem_shared>> -> memref<120x128xf32, #tpu.memory_space<vmem_shared>>
        tpu.enqueue_dma source(%arg10 : memref<120x128xf32, #tpu.memory_space<vmem>>) target(%dma_start3A_85 : memref<120x128xf32, #tpu.memory_space<vmem_shared>>) target_semaphore(%run_scoped3A : memref<!tpu.dma_semaphore, #tpu.memory_space<semaphore_mem>>)
        %dma_wait3A_86 = arith.constant 0 : i32
        %dma_wait3A_87 = tpu.memref_slice %arg17[%add3A_77, %dma_wait3A_86] : memref<10008x128xf32, #tpu.memory_space<vmem_shared>> -> memref<120x128xf32, #tpu.memory_space<vmem_shared>>
        %dma_wait3A_88 = arith.constant 0 : i32
        %dma_wait3A_89 = tpu.memref_slice %arg17[%add3A_77, %dma_wait3A_88] : memref<10008x128xf32, #tpu.memory_space<vmem_shared>> -> memref<120x128xf32, #tpu.memory_space<vmem_shared>>
        tpu.wait_dma2 semaphore(%run_scoped3A : memref<!tpu.dma_semaphore, #tpu.memory_space<semaphore_mem>>) src(%arg10 : memref<120x128xf32, #tpu.memory_space<vmem>>) dst(%dma_wait3A_89 : memref<120x128xf32, #tpu.memory_space<vmem_shared>>)
        tpu.yield
      }) : () -> ()
      %add3A_78 = arith.constant 480 : i32
      %add3A_79 = arith.addi %multiple_of3A, %add3A_78 : i32
      "tpu.region"() ({
        %run_scoped3A = tpu.sem_alloc : memref<!tpu.dma_semaphore, #tpu.memory_space<semaphore_mem>>
        %dma_start3A_82 = arith.constant 0 : i32
        %dma_start3A_83 = tpu.memref_slice %arg17[%add3A_79, %dma_start3A_82] : memref<10008x128xf32, #tpu.memory_space<vmem_shared>> -> memref<120x128xf32, #tpu.memory_space<vmem_shared>>
        %dma_start3A_84 = arith.constant 0 : i32
        %dma_start3A_85 = tpu.memref_slice %arg17[%add3A_79, %dma_start3A_84] : memref<10008x128xf32, #tpu.memory_space<vmem_shared>> -> memref<120x128xf32, #tpu.memory_space<vmem_shared>>
        tpu.enqueue_dma source(%arg10 : memref<120x128xf32, #tpu.memory_space<vmem>>) target(%dma_start3A_85 : memref<120x128xf32, #tpu.memory_space<vmem_shared>>) target_semaphore(%run_scoped3A : memref<!tpu.dma_semaphore, #tpu.memory_space<semaphore_mem>>)
        %dma_wait3A_86 = arith.constant 0 : i32
        %dma_wait3A_87 = tpu.memref_slice %arg17[%add3A_79, %dma_wait3A_86] : memref<10008x128xf32, #tpu.memory_space<vmem_shared>> -> memref<120x128xf32, #tpu.memory_space<vmem_shared>>
        %dma_wait3A_88 = arith.constant 0 : i32
        %dma_wait3A_89 = tpu.memref_slice %arg17[%add3A_79, %dma_wait3A_88] : memref<10008x128xf32, #tpu.memory_space<vmem_shared>> -> memref<120x128xf32, #tpu.memory_space<vmem_shared>>
        tpu.wait_dma2 semaphore(%run_scoped3A : memref<!tpu.dma_semaphore, #tpu.memory_space<semaphore_mem>>) src(%arg10 : memref<120x128xf32, #tpu.memory_space<vmem>>) dst(%dma_wait3A_89 : memref<120x128xf32, #tpu.memory_space<vmem_shared>>)
        tpu.yield
      }) : () -> ()
      %add3A_80 = arith.constant 600 : i32
      %add3A_81 = arith.addi %multiple_of3A, %add3A_80 : i32
      "tpu.region"() ({
        %run_scoped3A = tpu.sem_alloc : memref<!tpu.dma_semaphore, #tpu.memory_space<semaphore_mem>>
        %dma_start3A_82 = arith.constant 0 : i32
        %dma_start3A_83 = arith.constant 0 : i32
        %dma_start3A_84 = tpu.memref_slice %arg10[%dma_start3A_82, %dma_start3A_83] : memref<120x128xf32, #tpu.memory_space<vmem>> -> memref<24x128xf32, #tpu.memory_space<vmem>>
        %dma_start3A_85 = arith.constant 0 : i32
        %dma_start3A_86 = tpu.memref_slice %arg17[%add3A_81, %dma_start3A_85] : memref<10008x128xf32, #tpu.memory_space<vmem_shared>> -> memref<24x128xf32, #tpu.memory_space<vmem_shared>>
        %dma_start3A_87 = arith.constant 0 : i32
        %dma_start3A_88 = tpu.memref_slice %arg17[%add3A_81, %dma_start3A_87] : memref<10008x128xf32, #tpu.memory_space<vmem_shared>> -> memref<24x128xf32, #tpu.memory_space<vmem_shared>>
        %dma_start3A_89 = arith.constant 0 : i32
        %dma_start3A_90 = arith.constant 0 : i32
        %dma_start3A_91 = tpu.memref_slice %arg10[%dma_start3A_89, %dma_start3A_90] : memref<120x128xf32, #tpu.memory_space<vmem>> -> memref<24x128xf32, #tpu.memory_space<vmem>>
        tpu.enqueue_dma source(%dma_start3A_91 : memref<24x128xf32, #tpu.memory_space<vmem>>) target(%dma_start3A_88 : memref<24x128xf32, #tpu.memory_space<vmem_shared>>) target_semaphore(%run_scoped3A : memref<!tpu.dma_semaphore, #tpu.memory_space<semaphore_mem>>)
        %dma_wait3A_92 = arith.constant 0 : i32
        %dma_wait3A_93 = arith.constant 0 : i32
        %dma_wait3A_94 = tpu.memref_slice %arg10[%dma_wait3A_92, %dma_wait3A_93] : memref<120x128xf32, #tpu.memory_space<vmem>> -> memref<24x128xf32, #tpu.memory_space<vmem>>
        %dma_wait3A_95 = arith.constant 0 : i32
        %dma_wait3A_96 = tpu.memref_slice %arg17[%add3A_81, %dma_wait3A_95] : memref<10008x128xf32, #tpu.memory_space<vmem_shared>> -> memref<24x128xf32, #tpu.memory_space<vmem_shared>>
        %dma_wait3A_97 = arith.constant 0 : i32
        %dma_wait3A_98 = tpu.memref_slice %arg17[%add3A_81, %dma_wait3A_97] : memref<10008x128xf32, #tpu.memory_space<vmem_shared>> -> memref<24x128xf32, #tpu.memory_space<vmem_shared>>
        %dma_wait3A_99 = arith.constant 0 : i32
        %dma_wait3A_100 = arith.constant 0 : i32
        %dma_wait3A_101 = tpu.memref_slice %arg10[%dma_wait3A_99, %dma_wait3A_100] : memref<120x128xf32, #tpu.memory_space<vmem>> -> memref<24x128xf32, #tpu.memory_space<vmem>>
        tpu.wait_dma2 semaphore(%run_scoped3A : memref<!tpu.dma_semaphore, #tpu.memory_space<semaphore_mem>>) src(%dma_wait3A_101 : memref<24x128xf32, #tpu.memory_space<vmem>>) dst(%dma_wait3A_98 : memref<24x128xf32, #tpu.memory_space<vmem_shared>>)
        tpu.yield
      }) : () -> ()
    } else {
    }
    %eq3A = arith.constant 15 : i32
    %eq3A_8 = arith.cmpi eq, %arg1, %eq3A : i32
    %convert_element_type3A_9 = arith.extui %eq3A_8 : i1 to i32
    %cond3A_10 = arith.constant 0 : i32
    %cond3A_11 = arith.cmpi ne, %convert_element_type3A_9, %cond3A_10 : i32
    scf.if %cond3A_11 {
      %add3A = arith.constant 0 : i32
      %add3A_71 = arith.addi %multiple_of3A, %add3A : i32
      "tpu.region"() ({
        %run_scoped3A = tpu.sem_alloc : memref<!tpu.dma_semaphore, #tpu.memory_space<semaphore_mem>>
        %dma_start3A_82 = arith.constant 0 : i32
        %dma_start3A_83 = tpu.memref_slice %arg17[%add3A_71, %dma_start3A_82] : memref<10008x128xf32, #tpu.memory_space<vmem_shared>> -> memref<120x128xf32, #tpu.memory_space<vmem_shared>>
        %dma_start3A_84 = arith.constant 0 : i32
        %dma_start3A_85 = tpu.memref_slice %arg17[%add3A_71, %dma_start3A_84] : memref<10008x128xf32, #tpu.memory_space<vmem_shared>> -> memref<120x128xf32, #tpu.memory_space<vmem_shared>>
        tpu.enqueue_dma source(%arg10 : memref<120x128xf32, #tpu.memory_space<vmem>>) target(%dma_start3A_85 : memref<120x128xf32, #tpu.memory_space<vmem_shared>>) target_semaphore(%run_scoped3A : memref<!tpu.dma_semaphore, #tpu.memory_space<semaphore_mem>>)
        %dma_wait3A_86 = arith.constant 0 : i32
        %dma_wait3A_87 = tpu.memref_slice %arg17[%add3A_71, %dma_wait3A_86] : memref<10008x128xf32, #tpu.memory_space<vmem_shared>> -> memref<120x128xf32, #tpu.memory_space<vmem_shared>>
        %dma_wait3A_88 = arith.constant 0 : i32
        %dma_wait3A_89 = tpu.memref_slice %arg17[%add3A_71, %dma_wait3A_88] : memref<10008x128xf32, #tpu.memory_space<vmem_shared>> -> memref<120x128xf32, #tpu.memory_space<vmem_shared>>
        tpu.wait_dma2 semaphore(%run_scoped3A : memref<!tpu.dma_semaphore, #tpu.memory_space<semaphore_mem>>) src(%arg10 : memref<120x128xf32, #tpu.memory_space<vmem>>) dst(%dma_wait3A_89 : memref<120x128xf32, #tpu.memory_space<vmem_shared>>)
        tpu.yield
      }) : () -> ()
      %add3A_72 = arith.constant 120 : i32
      %add3A_73 = arith.addi %multiple_of3A, %add3A_72 : i32
      "tpu.region"() ({
        %run_scoped3A = tpu.sem_alloc : memref<!tpu.dma_semaphore, #tpu.memory_space<semaphore_mem>>
        %dma_start3A_82 = arith.constant 0 : i32
        %dma_start3A_83 = tpu.memref_slice %arg17[%add3A_73, %dma_start3A_82] : memref<10008x128xf32, #tpu.memory_space<vmem_shared>> -> memref<120x128xf32, #tpu.memory_space<vmem_shared>>
        %dma_start3A_84 = arith.constant 0 : i32
        %dma_start3A_85 = tpu.memref_slice %arg17[%add3A_73, %dma_start3A_84] : memref<10008x128xf32, #tpu.memory_space<vmem_shared>> -> memref<120x128xf32, #tpu.memory_space<vmem_shared>>
        tpu.enqueue_dma source(%arg10 : memref<120x128xf32, #tpu.memory_space<vmem>>) target(%dma_start3A_85 : memref<120x128xf32, #tpu.memory_space<vmem_shared>>) target_semaphore(%run_scoped3A : memref<!tpu.dma_semaphore, #tpu.memory_space<semaphore_mem>>)
        %dma_wait3A_86 = arith.constant 0 : i32
        %dma_wait3A_87 = tpu.memref_slice %arg17[%add3A_73, %dma_wait3A_86] : memref<10008x128xf32, #tpu.memory_space<vmem_shared>> -> memref<120x128xf32, #tpu.memory_space<vmem_shared>>
        %dma_wait3A_88 = arith.constant 0 : i32
        %dma_wait3A_89 = tpu.memref_slice %arg17[%add3A_73, %dma_wait3A_88] : memref<10008x128xf32, #tpu.memory_space<vmem_shared>> -> memref<120x128xf32, #tpu.memory_space<vmem_shared>>
        tpu.wait_dma2 semaphore(%run_scoped3A : memref<!tpu.dma_semaphore, #tpu.memory_space<semaphore_mem>>) src(%arg10 : memref<120x128xf32, #tpu.memory_space<vmem>>) dst(%dma_wait3A_89 : memref<120x128xf32, #tpu.memory_space<vmem_shared>>)
        tpu.yield
      }) : () -> ()
      %add3A_74 = arith.constant 240 : i32
      %add3A_75 = arith.addi %multiple_of3A, %add3A_74 : i32
      "tpu.region"() ({
        %run_scoped3A = tpu.sem_alloc : memref<!tpu.dma_semaphore, #tpu.memory_space<semaphore_mem>>
        %dma_start3A_82 = arith.constant 0 : i32
        %dma_start3A_83 = tpu.memref_slice %arg17[%add3A_75, %dma_start3A_82] : memref<10008x128xf32, #tpu.memory_space<vmem_shared>> -> memref<120x128xf32, #tpu.memory_space<vmem_shared>>
        %dma_start3A_84 = arith.constant 0 : i32
        %dma_start3A_85 = tpu.memref_slice %arg17[%add3A_75, %dma_start3A_84] : memref<10008x128xf32, #tpu.memory_space<vmem_shared>> -> memref<120x128xf32, #tpu.memory_space<vmem_shared>>
        tpu.enqueue_dma source(%arg10 : memref<120x128xf32, #tpu.memory_space<vmem>>) target(%dma_start3A_85 : memref<120x128xf32, #tpu.memory_space<vmem_shared>>) target_semaphore(%run_scoped3A : memref<!tpu.dma_semaphore, #tpu.memory_space<semaphore_mem>>)
        %dma_wait3A_86 = arith.constant 0 : i32
        %dma_wait3A_87 = tpu.memref_slice %arg17[%add3A_75, %dma_wait3A_86] : memref<10008x128xf32, #tpu.memory_space<vmem_shared>> -> memref<120x128xf32, #tpu.memory_space<vmem_shared>>
        %dma_wait3A_88 = arith.constant 0 : i32
        %dma_wait3A_89 = tpu.memref_slice %arg17[%add3A_75, %dma_wait3A_88] : memref<10008x128xf32, #tpu.memory_space<vmem_shared>> -> memref<120x128xf32, #tpu.memory_space<vmem_shared>>
        tpu.wait_dma2 semaphore(%run_scoped3A : memref<!tpu.dma_semaphore, #tpu.memory_space<semaphore_mem>>) src(%arg10 : memref<120x128xf32, #tpu.memory_space<vmem>>) dst(%dma_wait3A_89 : memref<120x128xf32, #tpu.memory_space<vmem_shared>>)
        tpu.yield
      }) : () -> ()
      %add3A_76 = arith.constant 360 : i32
      %add3A_77 = arith.addi %multiple_of3A, %add3A_76 : i32
      "tpu.region"() ({
        %run_scoped3A = tpu.sem_alloc : memref<!tpu.dma_semaphore, #tpu.memory_space<semaphore_mem>>
        %dma_start3A_82 = arith.constant 0 : i32
        %dma_start3A_83 = tpu.memref_slice %arg17[%add3A_77, %dma_start3A_82] : memref<10008x128xf32, #tpu.memory_space<vmem_shared>> -> memref<120x128xf32, #tpu.memory_space<vmem_shared>>
        %dma_start3A_84 = arith.constant 0 : i32
        %dma_start3A_85 = tpu.memref_slice %arg17[%add3A_77, %dma_start3A_84] : memref<10008x128xf32, #tpu.memory_space<vmem_shared>> -> memref<120x128xf32, #tpu.memory_space<vmem_shared>>
        tpu.enqueue_dma source(%arg10 : memref<120x128xf32, #tpu.memory_space<vmem>>) target(%dma_start3A_85 : memref<120x128xf32, #tpu.memory_space<vmem_shared>>) target_semaphore(%run_scoped3A : memref<!tpu.dma_semaphore, #tpu.memory_space<semaphore_mem>>)
        %dma_wait3A_86 = arith.constant 0 : i32
        %dma_wait3A_87 = tpu.memref_slice %arg17[%add3A_77, %dma_wait3A_86] : memref<10008x128xf32, #tpu.memory_space<vmem_shared>> -> memref<120x128xf32, #tpu.memory_space<vmem_shared>>
        %dma_wait3A_88 = arith.constant 0 : i32
        %dma_wait3A_89 = tpu.memref_slice %arg17[%add3A_77, %dma_wait3A_88] : memref<10008x128xf32, #tpu.memory_space<vmem_shared>> -> memref<120x128xf32, #tpu.memory_space<vmem_shared>>
        tpu.wait_dma2 semaphore(%run_scoped3A : memref<!tpu.dma_semaphore, #tpu.memory_space<semaphore_mem>>) src(%arg10 : memref<120x128xf32, #tpu.memory_space<vmem>>) dst(%dma_wait3A_89 : memref<120x128xf32, #tpu.memory_space<vmem_shared>>)
        tpu.yield
      }) : () -> ()
      %add3A_78 = arith.constant 480 : i32
      %add3A_79 = arith.addi %multiple_of3A, %add3A_78 : i32
      "tpu.region"() ({
        %run_scoped3A = tpu.sem_alloc : memref<!tpu.dma_semaphore, #tpu.memory_space<semaphore_mem>>
        %dma_start3A_82 = arith.constant 0 : i32
        %dma_start3A_83 = tpu.memref_slice %arg17[%add3A_79, %dma_start3A_82] : memref<10008x128xf32, #tpu.memory_space<vmem_shared>> -> memref<120x128xf32, #tpu.memory_space<vmem_shared>>
        %dma_start3A_84 = arith.constant 0 : i32
        %dma_start3A_85 = tpu.memref_slice %arg17[%add3A_79, %dma_start3A_84] : memref<10008x128xf32, #tpu.memory_space<vmem_shared>> -> memref<120x128xf32, #tpu.memory_space<vmem_shared>>
        tpu.enqueue_dma source(%arg10 : memref<120x128xf32, #tpu.memory_space<vmem>>) target(%dma_start3A_85 : memref<120x128xf32, #tpu.memory_space<vmem_shared>>) target_semaphore(%run_scoped3A : memref<!tpu.dma_semaphore, #tpu.memory_space<semaphore_mem>>)
        %dma_wait3A_86 = arith.constant 0 : i32
        %dma_wait3A_87 = tpu.memref_slice %arg17[%add3A_79, %dma_wait3A_86] : memref<10008x128xf32, #tpu.memory_space<vmem_shared>> -> memref<120x128xf32, #tpu.memory_space<vmem_shared>>
        %dma_wait3A_88 = arith.constant 0 : i32
        %dma_wait3A_89 = tpu.memref_slice %arg17[%add3A_79, %dma_wait3A_88] : memref<10008x128xf32, #tpu.memory_space<vmem_shared>> -> memref<120x128xf32, #tpu.memory_space<vmem_shared>>
        tpu.wait_dma2 semaphore(%run_scoped3A : memref<!tpu.dma_semaphore, #tpu.memory_space<semaphore_mem>>) src(%arg10 : memref<120x128xf32, #tpu.memory_space<vmem>>) dst(%dma_wait3A_89 : memref<120x128xf32, #tpu.memory_space<vmem_shared>>)
        tpu.yield
      }) : () -> ()
      %add3A_80 = arith.constant 600 : i32
      %add3A_81 = arith.addi %multiple_of3A, %add3A_80 : i32
      "tpu.region"() ({
        %run_scoped3A = tpu.sem_alloc : memref<!tpu.dma_semaphore, #tpu.memory_space<semaphore_mem>>
        %dma_start3A_82 = arith.constant 0 : i32
        %dma_start3A_83 = arith.constant 0 : i32
        %dma_start3A_84 = tpu.memref_slice %arg10[%dma_start3A_82, %dma_start3A_83] : memref<120x128xf32, #tpu.memory_space<vmem>> -> memref<48x128xf32, #tpu.memory_space<vmem>>
        %dma_start3A_85 = arith.constant 0 : i32
        %dma_start3A_86 = tpu.memref_slice %arg17[%add3A_81, %dma_start3A_85] : memref<10008x128xf32, #tpu.memory_space<vmem_shared>> -> memref<48x128xf32, #tpu.memory_space<vmem_shared>>
        %dma_start3A_87 = arith.constant 0 : i32
        %dma_start3A_88 = tpu.memref_slice %arg17[%add3A_81, %dma_start3A_87] : memref<10008x128xf32, #tpu.memory_space<vmem_shared>> -> memref<48x128xf32, #tpu.memory_space<vmem_shared>>
        %dma_start3A_89 = arith.constant 0 : i32
        %dma_start3A_90 = arith.constant 0 : i32
        %dma_start3A_91 = tpu.memref_slice %arg10[%dma_start3A_89, %dma_start3A_90] : memref<120x128xf32, #tpu.memory_space<vmem>> -> memref<48x128xf32, #tpu.memory_space<vmem>>
        tpu.enqueue_dma source(%dma_start3A_91 : memref<48x128xf32, #tpu.memory_space<vmem>>) target(%dma_start3A_88 : memref<48x128xf32, #tpu.memory_space<vmem_shared>>) target_semaphore(%run_scoped3A : memref<!tpu.dma_semaphore, #tpu.memory_space<semaphore_mem>>)
        %dma_wait3A_92 = arith.constant 0 : i32
        %dma_wait3A_93 = arith.constant 0 : i32
        %dma_wait3A_94 = tpu.memref_slice %arg10[%dma_wait3A_92, %dma_wait3A_93] : memref<120x128xf32, #tpu.memory_space<vmem>> -> memref<48x128xf32, #tpu.memory_space<vmem>>
        %dma_wait3A_95 = arith.constant 0 : i32
        %dma_wait3A_96 = tpu.memref_slice %arg17[%add3A_81, %dma_wait3A_95] : memref<10008x128xf32, #tpu.memory_space<vmem_shared>> -> memref<48x128xf32, #tpu.memory_space<vmem_shared>>
        %dma_wait3A_97 = arith.constant 0 : i32
        %dma_wait3A_98 = tpu.memref_slice %arg17[%add3A_81, %dma_wait3A_97] : memref<10008x128xf32, #tpu.memory_space<vmem_shared>> -> memref<48x128xf32, #tpu.memory_space<vmem_shared>>
        %dma_wait3A_99 = arith.constant 0 : i32
        %dma_wait3A_100 = arith.constant 0 : i32
        %dma_wait3A_101 = tpu.memref_slice %arg10[%dma_wait3A_99, %dma_wait3A_100] : memref<120x128xf32, #tpu.memory_space<vmem>> -> memref<48x128xf32, #tpu.memory_space<vmem>>
        tpu.wait_dma2 semaphore(%run_scoped3A : memref<!tpu.dma_semaphore, #tpu.memory_space<semaphore_mem>>) src(%dma_wait3A_101 : memref<48x128xf32, #tpu.memory_space<vmem>>) dst(%dma_wait3A_98 : memref<48x128xf32, #tpu.memory_space<vmem_shared>>)
        tpu.yield
      }) : () -> ()
    } else {
    }
    %barrier3A = arith.constant 0 : index
    tpu.barrier barrier_id(%barrier3A)
    %multiple_of3A_12 = arith.constant 0 : i32
    %multiple_of3A_13 = tpu.assume_multiple %multiple_of3A_12, 6 : i32
    %dma_start3A = arith.constant 0 : i32
    %dma_start3A_14 = tpu.memref_slice %arg3[%arg0, %arg1, %multiple_of3A_13, %dma_start3A] : memref<2x16x168x120xi32, #tpu.memory_space<hbm>> -> memref<1x1x6x120xi32, #tpu.memory_space<hbm>>
    %dma_start3A_15 = tpu.memref_squeeze %dma_start3A_14 : memref<1x1x6x120xi32, #tpu.memory_space<hbm>> -> memref<6x120xi32, #tpu.memory_space<hbm>>
    %dma_start3A_16 = arith.constant 0 : i32
    %dma_start3A_17 = tpu.memref_slice %arg3[%arg0, %arg1, %multiple_of3A_13, %dma_start3A_16] : memref<2x16x168x120xi32, #tpu.memory_space<hbm>> -> memref<1x1x6x120xi32, #tpu.memory_space<hbm>>
    %dma_start3A_18 = tpu.memref_squeeze %dma_start3A_17 : memref<1x1x6x120xi32, #tpu.memory_space<hbm>> -> memref<6x120xi32, #tpu.memory_space<hbm>>
    tpu.enqueue_dma source(%dma_start3A_18 : memref<6x120xi32, #tpu.memory_space<hbm>>) target(%arg6 : memref<6x120xi32, #tpu.memory_space<vmem>>) target_semaphore(%arg16 : memref<!tpu.dma_semaphore, #tpu.memory_space<semaphore_mem>>)
    %dma_start3A_19 = arith.constant 0 : i32
    %dma_start3A_20 = tpu.memref_slice %arg4[%arg0, %arg1, %multiple_of3A_13, %dma_start3A_19] : memref<2x16x168x120xi32, #tpu.memory_space<hbm>> -> memref<1x1x6x120xi32, #tpu.memory_space<hbm>>
    %dma_start3A_21 = tpu.memref_squeeze %dma_start3A_20 : memref<1x1x6x120xi32, #tpu.memory_space<hbm>> -> memref<6x120xi32, #tpu.memory_space<hbm>>
    %dma_start3A_22 = arith.constant 0 : i32
    %dma_start3A_23 = tpu.memref_slice %arg4[%arg0, %arg1, %multiple_of3A_13, %dma_start3A_22] : memref<2x16x168x120xi32, #tpu.memory_space<hbm>> -> memref<1x1x6x120xi32, #tpu.memory_space<hbm>>
    %dma_start3A_24 = tpu.memref_squeeze %dma_start3A_23 : memref<1x1x6x120xi32, #tpu.memory_space<hbm>> -> memref<6x120xi32, #tpu.memory_space<hbm>>
    tpu.enqueue_dma source(%dma_start3A_24 : memref<6x120xi32, #tpu.memory_space<hbm>>) target(%arg7 : memref<6x120xi32, #tpu.memory_space<vmem>>) target_semaphore(%arg16 : memref<!tpu.dma_semaphore, #tpu.memory_space<semaphore_mem>>)
    %dma_wait3A = arith.constant 0 : i32
    %dma_wait3A_25 = arith.constant 0 : i32
    %dma_wait3A_26 = tpu.memref_slice %arg3[%arg0, %arg1, %dma_wait3A, %dma_wait3A_25] : memref<2x16x168x120xi32, #tpu.memory_space<hbm>> -> memref<1x1x6x120xi32, #tpu.memory_space<hbm>>
    %dma_wait3A_27 = tpu.memref_squeeze %dma_wait3A_26 : memref<1x1x6x120xi32, #tpu.memory_space<hbm>> -> memref<6x120xi32, #tpu.memory_space<hbm>>
    %dma_wait3A_28 = arith.constant 0 : i32
    %dma_wait3A_29 = arith.constant 0 : i32
    %dma_wait3A_30 = tpu.memref_slice %arg3[%arg0, %arg1, %dma_wait3A_28, %dma_wait3A_29] : memref<2x16x168x120xi32, #tpu.memory_space<hbm>> -> memref<1x1x6x120xi32, #tpu.memory_space<hbm>>
    %dma_wait3A_31 = tpu.memref_squeeze %dma_wait3A_30 : memref<1x1x6x120xi32, #tpu.memory_space<hbm>> -> memref<6x120xi32, #tpu.memory_space<hbm>>
    tpu.wait_dma2 semaphore(%arg16 : memref<!tpu.dma_semaphore, #tpu.memory_space<semaphore_mem>>) src(%dma_wait3A_31 : memref<6x120xi32, #tpu.memory_space<hbm>>) dst(%arg6 : memref<6x120xi32, #tpu.memory_space<vmem>>)
    %dma_wait3A_32 = arith.constant 0 : i32
    %dma_wait3A_33 = arith.constant 0 : i32
    %dma_wait3A_34 = tpu.memref_slice %arg4[%arg0, %arg1, %dma_wait3A_32, %dma_wait3A_33] : memref<2x16x168x120xi32, #tpu.memory_space<hbm>> -> memref<1x1x6x120xi32, #tpu.memory_space<hbm>>
    %dma_wait3A_35 = tpu.memref_squeeze %dma_wait3A_34 : memref<1x1x6x120xi32, #tpu.memory_space<hbm>> -> memref<6x120xi32, #tpu.memory_space<hbm>>
    %dma_wait3A_36 = arith.constant 0 : i32
    %dma_wait3A_37 = arith.constant 0 : i32
    %dma_wait3A_38 = tpu.memref_slice %arg4[%arg0, %arg1, %dma_wait3A_36, %dma_wait3A_37] : memref<2x16x168x120xi32, #tpu.memory_space<hbm>> -> memref<1x1x6x120xi32, #tpu.memory_space<hbm>>
    %dma_wait3A_39 = tpu.memref_squeeze %dma_wait3A_38 : memref<1x1x6x120xi32, #tpu.memory_space<hbm>> -> memref<6x120xi32, #tpu.memory_space<hbm>>
    tpu.wait_dma2 semaphore(%arg16 : memref<!tpu.dma_semaphore, #tpu.memory_space<semaphore_mem>>) src(%dma_wait3A_39 : memref<6x120xi32, #tpu.memory_space<hbm>>) dst(%arg7 : memref<6x120xi32, #tpu.memory_space<vmem>>)
    %dma_start3A_40 = arith.constant 0 : i32
    %dma_start3A_41 = arith.constant 0 : i32
    %dma_start3A_42 = tpu.memref_slice %arg7[%dma_start3A_40, %dma_start3A_41] : memref<6x120xi32, #tpu.memory_space<vmem>> -> memref<1x120xi32, #tpu.memory_space<vmem>>
    %dma_start3A_43 = tpu.memref_squeeze %dma_start3A_42 : memref<1x120xi32, #tpu.memory_space<vmem>> -> memref<120xi32, #tpu.memory_space<vmem>>
    %dma_start3A_44 = arith.constant 0 : i32
    %dma_start3A_45 = arith.constant 0 : i32
    %dma_start3A_46 = tpu.memref_slice %arg2[%dma_start3A_44, %dma_start3A_45] : memref<10000x128xf32, #tpu.memory_space<hbm>> -> memref<10000x128xf32, #tpu.memory_space<hbm>>
    tpu.enqueue_indirect_dma source(%dma_start3A_46 : memref<10000x128xf32, #tpu.memory_space<hbm>>) target(%arg10 : memref<120x128xf32, #tpu.memory_space<vmem>>) offsets(%dma_start3A_43 : memref<120xi32, #tpu.memory_space<vmem>>) semaphore(%arg13 : memref<!tpu.dma_semaphore, #tpu.memory_space<semaphore_mem>>)
    %dma_start3A_47 = arith.constant 1 : i32
    %dma_start3A_48 = arith.constant 0 : i32
    %dma_start3A_49 = tpu.memref_slice %arg7[%dma_start3A_47, %dma_start3A_48] : memref<6x120xi32, #tpu.memory_space<vmem>> -> memref<1x120xi32, #tpu.memory_space<vmem>>
    %dma_start3A_50 = tpu.memref_squeeze %dma_start3A_49 : memref<1x120xi32, #tpu.memory_space<vmem>> -> memref<120xi32, #tpu.memory_space<vmem>>
    %dma_start3A_51 = arith.constant 0 : i32
    %dma_start3A_52 = arith.constant 0 : i32
    %dma_start3A_53 = tpu.memref_slice %arg2[%dma_start3A_51, %dma_start3A_52] : memref<10000x128xf32, #tpu.memory_space<hbm>> -> memref<10000x128xf32, #tpu.memory_space<hbm>>
    tpu.enqueue_indirect_dma source(%dma_start3A_53 : memref<10000x128xf32, #tpu.memory_space<hbm>>) target(%arg11 : memref<120x128xf32, #tpu.memory_space<vmem>>) offsets(%dma_start3A_50 : memref<120xi32, #tpu.memory_space<vmem>>) semaphore(%arg14 : memref<!tpu.dma_semaphore, #tpu.memory_space<semaphore_mem>>)
    %scan3A_54 = arith.constant 0 : i32
    %scan3A_55 = arith.constant 0 : i32
    %scan3A_56 = arith.constant 28 : i32
    %scan3A_57 = arith.addi %scan3A_55, %scan3A_56 : i32
    %scan3A_58 = arith.constant 1 : i32
    scf.for %scan3A_71 = %scan3A_55 to %scan3A_57 step %scan3A_58  : i32 {
      %jit3A = arith.constant 2 : i32
      %eq3A_72 = arith.constant 0 : i32
      %eq3A_73 = arith.cmpi eq, %jit3A, %eq3A_72 : i32
      %jit3A_74 = arith.constant 1 : i32
      %select_n3A = arith.select %eq3A_73, %jit3A_74, %jit3A : i32
      %rem3A = arith.remsi %scan3A_71, %select_n3A : i32
      %ne3A = arith.constant 0 : i32
      %ne3A_75 = arith.cmpi ne, %rem3A, %ne3A : i32
      %lt3A_76 = arith.constant 0 : i32
      %lt3A_77 = arith.cmpi slt, %rem3A, %lt3A_76 : i32
      %lt3A_78 = arith.constant 0 : i32
      %lt3A_79 = arith.cmpi slt, %select_n3A, %lt3A_78 : i32
      %ne3A_80 = arith.xori %lt3A_77, %lt3A_79 : i1
      %and3A = arith.andi %ne3A_80, %ne3A_75 : i1
      %add3A = arith.addi %rem3A, %select_n3A : i32
      %select_n3A_81 = arith.select %and3A, %add3A, %rem3A : i32
      %eq3A_82 = arith.constant 0 : i32
      %eq3A_83 = arith.cmpi eq, %select_n3A_81, %eq3A_82 : i32
      %convert_element_type3A_84 = arith.extui %eq3A_83 : i1 to i32
      %cond3A_85 = arith.constant 0 : i32
      %cond3A_86 = arith.cmpi ne, %convert_element_type3A_84, %cond3A_85 : i32
      scf.if %cond3A_86 {
        %add3A_108 = arith.constant 1 : i32
        %add3A_109 = arith.addi %scan3A_71, %add3A_108 : i32
        %lt3A_110 = arith.constant 28 : i32
        %lt3A_111 = arith.cmpi slt, %add3A_109, %lt3A_110 : i32
        %convert_element_type3A_112 = arith.extui %lt3A_111 : i1 to i32
        %cond3A_113 = arith.constant 0 : i32
        %cond3A_114 = arith.cmpi ne, %convert_element_type3A_112, %cond3A_113 : i32
        scf.if %cond3A_114 {
          %add3A_194 = arith.constant 1 : i32
          %add3A_195 = arith.addi %scan3A_71, %add3A_194 : i32
          %mul3A_196 = arith.constant 6 : i32
          %mul3A_197 = arith.muli %add3A_195, %mul3A_196 : i32
          %multiple_of3A_198 = tpu.assume_multiple %mul3A_197, 6 : i32
          %dma_start3A_199 = arith.constant 0 : i32
          %dma_start3A_200 = tpu.memref_slice %arg3[%arg0, %arg1, %multiple_of3A_198, %dma_start3A_199] : memref<2x16x168x120xi32, #tpu.memory_space<hbm>> -> memref<1x1x6x120xi32, #tpu.memory_space<hbm>>
          %dma_start3A_201 = tpu.memref_squeeze %dma_start3A_200 : memref<1x1x6x120xi32, #tpu.memory_space<hbm>> -> memref<6x120xi32, #tpu.memory_space<hbm>>
          %dma_start3A_202 = arith.constant 0 : i32
          %dma_start3A_203 = tpu.memref_slice %arg3[%arg0, %arg1, %multiple_of3A_198, %dma_start3A_202] : memref<2x16x168x120xi32, #tpu.memory_space<hbm>> -> memref<1x1x6x120xi32, #tpu.memory_space<hbm>>
          %dma_start3A_204 = tpu.memref_squeeze %dma_start3A_203 : memref<1x1x6x120xi32, #tpu.memory_space<hbm>> -> memref<6x120xi32, #tpu.memory_space<hbm>>
          tpu.enqueue_dma source(%dma_start3A_204 : memref<6x120xi32, #tpu.memory_space<hbm>>) target(%arg8 : memref<6x120xi32, #tpu.memory_space<vmem>>) target_semaphore(%arg16 : memref<!tpu.dma_semaphore, #tpu.memory_space<semaphore_mem>>)
          %dma_start3A_205 = arith.constant 0 : i32
          %dma_start3A_206 = tpu.memref_slice %arg4[%arg0, %arg1, %multiple_of3A_198, %dma_start3A_205] : memref<2x16x168x120xi32, #tpu.memory_space<hbm>> -> memref<1x1x6x120xi32, #tpu.memory_space<hbm>>
          %dma_start3A_207 = tpu.memref_squeeze %dma_start3A_206 : memref<1x1x6x120xi32, #tpu.memory_space<hbm>> -> memref<6x120xi32, #tpu.memory_space<hbm>>
          %dma_start3A_208 = arith.constant 0 : i32
          %dma_start3A_209 = tpu.memref_slice %arg4[%arg0, %arg1, %multiple_of3A_198, %dma_start3A_208] : memref<2x16x168x120xi32, #tpu.memory_space<hbm>> -> memref<1x1x6x120xi32, #tpu.memory_space<hbm>>
          %dma_start3A_210 = tpu.memref_squeeze %dma_start3A_209 : memref<1x1x6x120xi32, #tpu.memory_space<hbm>> -> memref<6x120xi32, #tpu.memory_space<hbm>>
          tpu.enqueue_dma source(%dma_start3A_210 : memref<6x120xi32, #tpu.memory_space<hbm>>) target(%arg9 : memref<6x120xi32, #tpu.memory_space<vmem>>) target_semaphore(%arg16 : memref<!tpu.dma_semaphore, #tpu.memory_space<semaphore_mem>>)
        } else {
        }
        %add3A_115 = arith.constant 1 : i32
        %add3A_116 = arith.addi %scan3A_71, %add3A_115 : i32
        %lt3A_117 = arith.constant 28 : i32
        %lt3A_118 = arith.cmpi slt, %add3A_116, %lt3A_117 : i32
        %dma_start3A_119 = arith.constant 2 : i32
        %dma_start3A_120 = arith.constant 0 : i32
        %dma_start3A_121 = tpu.memref_slice %arg7[%dma_start3A_119, %dma_start3A_120] : memref<6x120xi32, #tpu.memory_space<vmem>> -> memref<1x120xi32, #tpu.memory_space<vmem>>
        %dma_start3A_122 = tpu.memref_squeeze %dma_start3A_121 : memref<1x120xi32, #tpu.memory_space<vmem>> -> memref<120xi32, #tpu.memory_space<vmem>>
        %dma_start3A_123 = arith.constant 0 : i32
        %dma_start3A_124 = arith.constant 0 : i32
        %dma_start3A_125 = tpu.memref_slice %arg2[%dma_start3A_123, %dma_start3A_124] : memref<10000x128xf32, #tpu.memory_space<hbm>> -> memref<10000x128xf32, #tpu.memory_space<hbm>>
        tpu.enqueue_indirect_dma source(%dma_start3A_125 : memref<10000x128xf32, #tpu.memory_space<hbm>>) target(%arg12 : memref<120x128xf32, #tpu.memory_space<vmem>>) offsets(%dma_start3A_122 : memref<120xi32, #tpu.memory_space<vmem>>) semaphore(%arg15 : memref<!tpu.dma_semaphore, #tpu.memory_space<semaphore_mem>>)
        %dma_wait3A_126 = arith.constant 0 : i32
        %dma_wait3A_127 = arith.constant 0 : i32
        %dma_wait3A_128 = tpu.memref_slice %arg2[%dma_wait3A_126, %dma_wait3A_127] : memref<10000x128xf32, #tpu.memory_space<hbm>> -> memref<120x128xf32, #tpu.memory_space<hbm>>
        %dma_wait3A_129 = arith.constant 0 : i32
        %dma_wait3A_130 = arith.constant 0 : i32
        %dma_wait3A_131 = tpu.memref_slice %arg2[%dma_wait3A_129, %dma_wait3A_130] : memref<10000x128xf32, #tpu.memory_space<hbm>> -> memref<120x128xf32, #tpu.memory_space<hbm>>
        tpu.wait_dma2 semaphore(%arg13 : memref<!tpu.dma_semaphore, #tpu.memory_space<semaphore_mem>>) src(%dma_wait3A_131 : memref<120x128xf32, #tpu.memory_space<hbm>>) dst(%arg10 : memref<120x128xf32, #tpu.memory_space<vmem>>)
        %run_scoped3A = arith.constant 0 : i32
        "tpu.region"() ({
          %run_scoped3A_194 = tpu.sem_alloc : memref<!tpu.dma_semaphore, #tpu.memory_space<semaphore_mem>>
          %dma_start3A_195 = arith.constant 0 : i32
          %dma_start3A_196 = tpu.memref_slice %arg6[%run_scoped3A, %dma_start3A_195] : memref<6x120xi32, #tpu.memory_space<vmem>> -> memref<1x120xi32, #tpu.memory_space<vmem>>
          %dma_start3A_197 = tpu.memref_squeeze %dma_start3A_196 : memref<1x120xi32, #tpu.memory_space<vmem>> -> memref<120xi32, #tpu.memory_space<vmem>>
          %dma_start3A_198 = arith.constant 0 : i32
          %dma_start3A_199 = arith.constant 0 : i32
          %dma_start3A_200 = tpu.memref_slice %arg17[%dma_start3A_198, %dma_start3A_199] : memref<10008x128xf32, #tpu.memory_space<vmem_shared>> -> memref<10008x128xf32, #tpu.memory_space<vmem_shared>>
          tpu.enqueue_indirect_dma source(%arg10 : memref<120x128xf32, #tpu.memory_space<vmem>>) target(%dma_start3A_200 : memref<10008x128xf32, #tpu.memory_space<vmem_shared>>) offsets(%dma_start3A_197 : memref<120xi32, #tpu.memory_space<vmem>>) semaphore(%run_scoped3A_194 : memref<!tpu.dma_semaphore, #tpu.memory_space<semaphore_mem>>) {add = true}
          %dma_wait3A_201 = arith.constant 0 : i32
          %dma_wait3A_202 = tpu.memref_slice %arg6[%run_scoped3A, %dma_wait3A_201] : memref<6x120xi32, #tpu.memory_space<vmem>> -> memref<1x120xi32, #tpu.memory_space<vmem>>
          %dma_wait3A_203 = tpu.memref_squeeze %dma_wait3A_202 : memref<1x120xi32, #tpu.memory_space<vmem>> -> memref<120xi32, #tpu.memory_space<vmem>>
          %dma_wait3A_204 = arith.constant 0 : i32
          %dma_wait3A_205 = arith.constant 0 : i32
          %dma_wait3A_206 = tpu.memref_slice %arg17[%dma_wait3A_204, %dma_wait3A_205] : memref<10008x128xf32, #tpu.memory_space<vmem_shared>> -> memref<10008x128xf32, #tpu.memory_space<vmem_shared>>
          tpu.wait_indirect_dma semaphore(%run_scoped3A_194 : memref<!tpu.dma_semaphore, #tpu.memory_space<semaphore_mem>>) src(%arg10 : memref<120x128xf32, #tpu.memory_space<vmem>>) dst(%dma_wait3A_206 : memref<10008x128xf32, #tpu.memory_space<vmem_shared>>)
          tpu.yield
        }) : () -> ()
        %dma_start3A_132 = arith.constant 3 : i32
        %dma_start3A_133 = arith.constant 0 : i32
        %dma_start3A_134 = tpu.memref_slice %arg7[%dma_start3A_132, %dma_start3A_133] : memref<6x120xi32, #tpu.memory_space<vmem>> -> memref<1x120xi32, #tpu.memory_space<vmem>>
        %dma_start3A_135 = tpu.memref_squeeze %dma_start3A_134 : memref<1x120xi32, #tpu.memory_space<vmem>> -> memref<120xi32, #tpu.memory_space<vmem>>
        %dma_start3A_136 = arith.constant 0 : i32
        %dma_start3A_137 = arith.constant 0 : i32
        %dma_start3A_138 = tpu.memref_slice %arg2[%dma_start3A_136, %dma_start3A_137] : memref<10000x128xf32, #tpu.memory_space<hbm>> -> memref<10000x128xf32, #tpu.memory_space<hbm>>
        tpu.enqueue_indirect_dma source(%dma_start3A_138 : memref<10000x128xf32, #tpu.memory_space<hbm>>) target(%arg10 : memref<120x128xf32, #tpu.memory_space<vmem>>) offsets(%dma_start3A_135 : memref<120xi32, #tpu.memory_space<vmem>>) semaphore(%arg13 : memref<!tpu.dma_semaphore, #tpu.memory_space<semaphore_mem>>)
        %dma_wait3A_139 = arith.constant 0 : i32
        %dma_wait3A_140 = arith.constant 0 : i32
        %dma_wait3A_141 = tpu.memref_slice %arg2[%dma_wait3A_139, %dma_wait3A_140] : memref<10000x128xf32, #tpu.memory_space<hbm>> -> memref<120x128xf32, #tpu.memory_space<hbm>>
        %dma_wait3A_142 = arith.constant 0 : i32
        %dma_wait3A_143 = arith.constant 0 : i32
        %dma_wait3A_144 = tpu.memref_slice %arg2[%dma_wait3A_142, %dma_wait3A_143] : memref<10000x128xf32, #tpu.memory_space<hbm>> -> memref<120x128xf32, #tpu.memory_space<hbm>>
        tpu.wait_dma2 semaphore(%arg14 : memref<!tpu.dma_semaphore, #tpu.memory_space<semaphore_mem>>) src(%dma_wait3A_144 : memref<120x128xf32, #tpu.memory_space<hbm>>) dst(%arg11 : memref<120x128xf32, #tpu.memory_space<vmem>>)
        %run_scoped3A_145 = arith.constant 1 : i32
        "tpu.region"() ({
          %run_scoped3A_194 = tpu.sem_alloc : memref<!tpu.dma_semaphore, #tpu.memory_space<semaphore_mem>>
          %dma_start3A_195 = arith.constant 0 : i32
          %dma_start3A_196 = tpu.memref_slice %arg6[%run_scoped3A_145, %dma_start3A_195] : memref<6x120xi32, #tpu.memory_space<vmem>> -> memref<1x120xi32, #tpu.memory_space<vmem>>
          %dma_start3A_197 = tpu.memref_squeeze %dma_start3A_196 : memref<1x120xi32, #tpu.memory_space<vmem>> -> memref<120xi32, #tpu.memory_space<vmem>>
          %dma_start3A_198 = arith.constant 0 : i32
          %dma_start3A_199 = arith.constant 0 : i32
          %dma_start3A_200 = tpu.memref_slice %arg17[%dma_start3A_198, %dma_start3A_199] : memref<10008x128xf32, #tpu.memory_space<vmem_shared>> -> memref<10008x128xf32, #tpu.memory_space<vmem_shared>>
          tpu.enqueue_indirect_dma source(%arg11 : memref<120x128xf32, #tpu.memory_space<vmem>>) target(%dma_start3A_200 : memref<10008x128xf32, #tpu.memory_space<vmem_shared>>) offsets(%dma_start3A_197 : memref<120xi32, #tpu.memory_space<vmem>>) semaphore(%run_scoped3A_194 : memref<!tpu.dma_semaphore, #tpu.memory_space<semaphore_mem>>) {add = true}
          %dma_wait3A_201 = arith.constant 0 : i32
          %dma_wait3A_202 = tpu.memref_slice %arg6[%run_scoped3A_145, %dma_wait3A_201] : memref<6x120xi32, #tpu.memory_space<vmem>> -> memref<1x120xi32, #tpu.memory_space<vmem>>
          %dma_wait3A_203 = tpu.memref_squeeze %dma_wait3A_202 : memref<1x120xi32, #tpu.memory_space<vmem>> -> memref<120xi32, #tpu.memory_space<vmem>>
          %dma_wait3A_204 = arith.constant 0 : i32
          %dma_wait3A_205 = arith.constant 0 : i32
          %dma_wait3A_206 = tpu.memref_slice %arg17[%dma_wait3A_204, %dma_wait3A_205] : memref<10008x128xf32, #tpu.memory_space<vmem_shared>> -> memref<10008x128xf32, #tpu.memory_space<vmem_shared>>
          tpu.wait_indirect_dma semaphore(%run_scoped3A_194 : memref<!tpu.dma_semaphore, #tpu.memory_space<semaphore_mem>>) src(%arg11 : memref<120x128xf32, #tpu.memory_space<vmem>>) dst(%dma_wait3A_206 : memref<10008x128xf32, #tpu.memory_space<vmem_shared>>)
          tpu.yield
        }) : () -> ()
        %dma_start3A_146 = arith.constant 4 : i32
        %dma_start3A_147 = arith.constant 0 : i32
        %dma_start3A_148 = tpu.memref_slice %arg7[%dma_start3A_146, %dma_start3A_147] : memref<6x120xi32, #tpu.memory_space<vmem>> -> memref<1x120xi32, #tpu.memory_space<vmem>>
        %dma_start3A_149 = tpu.memref_squeeze %dma_start3A_148 : memref<1x120xi32, #tpu.memory_space<vmem>> -> memref<120xi32, #tpu.memory_space<vmem>>
        %dma_start3A_150 = arith.constant 0 : i32
        %dma_start3A_151 = arith.constant 0 : i32
        %dma_start3A_152 = tpu.memref_slice %arg2[%dma_start3A_150, %dma_start3A_151] : memref<10000x128xf32, #tpu.memory_space<hbm>> -> memref<10000x128xf32, #tpu.memory_space<hbm>>
        tpu.enqueue_indirect_dma source(%dma_start3A_152 : memref<10000x128xf32, #tpu.memory_space<hbm>>) target(%arg11 : memref<120x128xf32, #tpu.memory_space<vmem>>) offsets(%dma_start3A_149 : memref<120xi32, #tpu.memory_space<vmem>>) semaphore(%arg14 : memref<!tpu.dma_semaphore, #tpu.memory_space<semaphore_mem>>)
        %dma_wait3A_153 = arith.constant 0 : i32
        %dma_wait3A_154 = arith.constant 0 : i32
        %dma_wait3A_155 = tpu.memref_slice %arg2[%dma_wait3A_153, %dma_wait3A_154] : memref<10000x128xf32, #tpu.memory_space<hbm>> -> memref<120x128xf32, #tpu.memory_space<hbm>>
        %dma_wait3A_156 = arith.constant 0 : i32
        %dma_wait3A_157 = arith.constant 0 : i32
        %dma_wait3A_158 = tpu.memref_slice %arg2[%dma_wait3A_156, %dma_wait3A_157] : memref<10000x128xf32, #tpu.memory_space<hbm>> -> memref<120x128xf32, #tpu.memory_space<hbm>>
        tpu.wait_dma2 semaphore(%arg15 : memref<!tpu.dma_semaphore, #tpu.memory_space<semaphore_mem>>) src(%dma_wait3A_158 : memref<120x128xf32, #tpu.memory_space<hbm>>) dst(%arg12 : memref<120x128xf32, #tpu.memory_space<vmem>>)
        %run_scoped3A_159 = arith.constant 2 : i32
        "tpu.region"() ({
          %run_scoped3A_194 = tpu.sem_alloc : memref<!tpu.dma_semaphore, #tpu.memory_space<semaphore_mem>>
          %dma_start3A_195 = arith.constant 0 : i32
          %dma_start3A_196 = tpu.memref_slice %arg6[%run_scoped3A_159, %dma_start3A_195] : memref<6x120xi32, #tpu.memory_space<vmem>> -> memref<1x120xi32, #tpu.memory_space<vmem>>
          %dma_start3A_197 = tpu.memref_squeeze %dma_start3A_196 : memref<1x120xi32, #tpu.memory_space<vmem>> -> memref<120xi32, #tpu.memory_space<vmem>>
          %dma_start3A_198 = arith.constant 0 : i32
          %dma_start3A_199 = arith.constant 0 : i32
          %dma_start3A_200 = tpu.memref_slice %arg17[%dma_start3A_198, %dma_start3A_199] : memref<10008x128xf32, #tpu.memory_space<vmem_shared>> -> memref<10008x128xf32, #tpu.memory_space<vmem_shared>>
          tpu.enqueue_indirect_dma source(%arg12 : memref<120x128xf32, #tpu.memory_space<vmem>>) target(%dma_start3A_200 : memref<10008x128xf32, #tpu.memory_space<vmem_shared>>) offsets(%dma_start3A_197 : memref<120xi32, #tpu.memory_space<vmem>>) semaphore(%run_scoped3A_194 : memref<!tpu.dma_semaphore, #tpu.memory_space<semaphore_mem>>) {add = true}
          %dma_wait3A_201 = arith.constant 0 : i32
          %dma_wait3A_202 = tpu.memref_slice %arg6[%run_scoped3A_159, %dma_wait3A_201] : memref<6x120xi32, #tpu.memory_space<vmem>> -> memref<1x120xi32, #tpu.memory_space<vmem>>
          %dma_wait3A_203 = tpu.memref_squeeze %dma_wait3A_202 : memref<1x120xi32, #tpu.memory_space<vmem>> -> memref<120xi32, #tpu.memory_space<vmem>>
          %dma_wait3A_204 = arith.constant 0 : i32
          %dma_wait3A_205 = arith.constant 0 : i32
          %dma_wait3A_206 = tpu.memref_slice %arg17[%dma_wait3A_204, %dma_wait3A_205] : memref<10008x128xf32, #tpu.memory_space<vmem_shared>> -> memref<10008x128xf32, #tpu.memory_space<vmem_shared>>
          tpu.wait_indirect_dma semaphore(%run_scoped3A_194 : memref<!tpu.dma_semaphore, #tpu.memory_space<semaphore_mem>>) src(%arg12 : memref<120x128xf32, #tpu.memory_space<vmem>>) dst(%dma_wait3A_206 : memref<10008x128xf32, #tpu.memory_space<vmem_shared>>)
          tpu.yield
        }) : () -> ()
        %dma_start3A_160 = arith.constant 5 : i32
        %dma_start3A_161 = arith.constant 0 : i32
        %dma_start3A_162 = tpu.memref_slice %arg7[%dma_start3A_160, %dma_start3A_161] : memref<6x120xi32, #tpu.memory_space<vmem>> -> memref<1x120xi32, #tpu.memory_space<vmem>>
        %dma_start3A_163 = tpu.memref_squeeze %dma_start3A_162 : memref<1x120xi32, #tpu.memory_space<vmem>> -> memref<120xi32, #tpu.memory_space<vmem>>
        %dma_start3A_164 = arith.constant 0 : i32
        %dma_start3A_165 = arith.constant 0 : i32
        %dma_start3A_166 = tpu.memref_slice %arg2[%dma_start3A_164, %dma_start3A_165] : memref<10000x128xf32, #tpu.memory_space<hbm>> -> memref<10000x128xf32, #tpu.memory_space<hbm>>
        tpu.enqueue_indirect_dma source(%dma_start3A_166 : memref<10000x128xf32, #tpu.memory_space<hbm>>) target(%arg12 : memref<120x128xf32, #tpu.memory_space<vmem>>) offsets(%dma_start3A_163 : memref<120xi32, #tpu.memory_space<vmem>>) semaphore(%arg15 : memref<!tpu.dma_semaphore, #tpu.memory_space<semaphore_mem>>)
        %dma_wait3A_167 = arith.constant 0 : i32
        %dma_wait3A_168 = arith.constant 0 : i32
        %dma_wait3A_169 = tpu.memref_slice %arg2[%dma_wait3A_167, %dma_wait3A_168] : memref<10000x128xf32, #tpu.memory_space<hbm>> -> memref<120x128xf32, #tpu.memory_space<hbm>>
        %dma_wait3A_170 = arith.constant 0 : i32
        %dma_wait3A_171 = arith.constant 0 : i32
        %dma_wait3A_172 = tpu.memref_slice %arg2[%dma_wait3A_170, %dma_wait3A_171] : memref<10000x128xf32, #tpu.memory_space<hbm>> -> memref<120x128xf32, #tpu.memory_space<hbm>>
        tpu.wait_dma2 semaphore(%arg13 : memref<!tpu.dma_semaphore, #tpu.memory_space<semaphore_mem>>) src(%dma_wait3A_172 : memref<120x128xf32, #tpu.memory_space<hbm>>) dst(%arg10 : memref<120x128xf32, #tpu.memory_space<vmem>>)
        %run_scoped3A_173 = arith.constant 3 : i32
        "tpu.region"() ({
          %run_scoped3A_194 = tpu.sem_alloc : memref<!tpu.dma_semaphore, #tpu.memory_space<semaphore_mem>>
          %dma_start3A_195 = arith.constant 0 : i32
          %dma_start3A_196 = tpu.memref_slice %arg6[%run_scoped3A_173, %dma_start3A_195] : memref<6x120xi32, #tpu.memory_space<vmem>> -> memref<1x120xi32, #tpu.memory_space<vmem>>
          %dma_start3A_197 = tpu.memref_squeeze %dma_start3A_196 : memref<1x120xi32, #tpu.memory_space<vmem>> -> memref<120xi32, #tpu.memory_space<vmem>>
          %dma_start3A_198 = arith.constant 0 : i32
          %dma_start3A_199 = arith.constant 0 : i32
          %dma_start3A_200 = tpu.memref_slice %arg17[%dma_start3A_198, %dma_start3A_199] : memref<10008x128xf32, #tpu.memory_space<vmem_shared>> -> memref<10008x128xf32, #tpu.memory_space<vmem_shared>>
          tpu.enqueue_indirect_dma source(%arg10 : memref<120x128xf32, #tpu.memory_space<vmem>>) target(%dma_start3A_200 : memref<10008x128xf32, #tpu.memory_space<vmem_shared>>) offsets(%dma_start3A_197 : memref<120xi32, #tpu.memory_space<vmem>>) semaphore(%run_scoped3A_194 : memref<!tpu.dma_semaphore, #tpu.memory_space<semaphore_mem>>) {add = true}
          %dma_wait3A_201 = arith.constant 0 : i32
          %dma_wait3A_202 = tpu.memref_slice %arg6[%run_scoped3A_173, %dma_wait3A_201] : memref<6x120xi32, #tpu.memory_space<vmem>> -> memref<1x120xi32, #tpu.memory_space<vmem>>
          %dma_wait3A_203 = tpu.memref_squeeze %dma_wait3A_202 : memref<1x120xi32, #tpu.memory_space<vmem>> -> memref<120xi32, #tpu.memory_space<vmem>>
          %dma_wait3A_204 = arith.constant 0 : i32
          %dma_wait3A_205 = arith.constant 0 : i32
          %dma_wait3A_206 = tpu.memref_slice %arg17[%dma_wait3A_204, %dma_wait3A_205] : memref<10008x128xf32, #tpu.memory_space<vmem_shared>> -> memref<10008x128xf32, #tpu.memory_space<vmem_shared>>
          tpu.wait_indirect_dma semaphore(%run_scoped3A_194 : memref<!tpu.dma_semaphore, #tpu.memory_space<semaphore_mem>>) src(%arg10 : memref<120x128xf32, #tpu.memory_space<vmem>>) dst(%dma_wait3A_206 : memref<10008x128xf32, #tpu.memory_space<vmem_shared>>)
          tpu.yield
        }) : () -> ()
        %convert_element_type3A_174 = arith.extui %lt3A_118 : i1 to i32
        %cond3A_175 = arith.constant 0 : i32
        %cond3A_176 = arith.cmpi ne, %convert_element_type3A_174, %cond3A_175 : i32
        scf.if %cond3A_176 {
          %dma_wait3A_194 = arith.constant 0 : i32
          %dma_wait3A_195 = arith.constant 0 : i32
          %dma_wait3A_196 = tpu.memref_slice %arg3[%arg0, %arg1, %dma_wait3A_194, %dma_wait3A_195] : memref<2x16x168x120xi32, #tpu.memory_space<hbm>> -> memref<1x1x6x120xi32, #tpu.memory_space<hbm>>
          %dma_wait3A_197 = tpu.memref_squeeze %dma_wait3A_196 : memref<1x1x6x120xi32, #tpu.memory_space<hbm>> -> memref<6x120xi32, #tpu.memory_space<hbm>>
          %dma_wait3A_198 = arith.constant 0 : i32
          %dma_wait3A_199 = arith.constant 0 : i32
          %dma_wait3A_200 = tpu.memref_slice %arg3[%arg0, %arg1, %dma_wait3A_198, %dma_wait3A_199] : memref<2x16x168x120xi32, #tpu.memory_space<hbm>> -> memref<1x1x6x120xi32, #tpu.memory_space<hbm>>
          %dma_wait3A_201 = tpu.memref_squeeze %dma_wait3A_200 : memref<1x1x6x120xi32, #tpu.memory_space<hbm>> -> memref<6x120xi32, #tpu.memory_space<hbm>>
          tpu.wait_dma2 semaphore(%arg16 : memref<!tpu.dma_semaphore, #tpu.memory_space<semaphore_mem>>) src(%dma_wait3A_201 : memref<6x120xi32, #tpu.memory_space<hbm>>) dst(%arg8 : memref<6x120xi32, #tpu.memory_space<vmem>>)
          %dma_wait3A_202 = arith.constant 0 : i32
          %dma_wait3A_203 = arith.constant 0 : i32
          %dma_wait3A_204 = tpu.memref_slice %arg4[%arg0, %arg1, %dma_wait3A_202, %dma_wait3A_203] : memref<2x16x168x120xi32, #tpu.memory_space<hbm>> -> memref<1x1x6x120xi32, #tpu.memory_space<hbm>>
          %dma_wait3A_205 = tpu.memref_squeeze %dma_wait3A_204 : memref<1x1x6x120xi32, #tpu.memory_space<hbm>> -> memref<6x120xi32, #tpu.memory_space<hbm>>
          %dma_wait3A_206 = arith.constant 0 : i32
          %dma_wait3A_207 = arith.constant 0 : i32
          %dma_wait3A_208 = tpu.memref_slice %arg4[%arg0, %arg1, %dma_wait3A_206, %dma_wait3A_207] : memref<2x16x168x120xi32, #tpu.memory_space<hbm>> -> memref<1x1x6x120xi32, #tpu.memory_space<hbm>>
          %dma_wait3A_209 = tpu.memref_squeeze %dma_wait3A_208 : memref<1x1x6x120xi32, #tpu.memory_space<hbm>> -> memref<6x120xi32, #tpu.memory_space<hbm>>
          tpu.wait_dma2 semaphore(%arg16 : memref<!tpu.dma_semaphore, #tpu.memory_space<semaphore_mem>>) src(%dma_wait3A_209 : memref<6x120xi32, #tpu.memory_space<hbm>>) dst(%arg9 : memref<6x120xi32, #tpu.memory_space<vmem>>)
          %dma_start3A_210 = arith.constant 0 : i32
          %dma_start3A_211 = arith.constant 0 : i32
          %dma_start3A_212 = tpu.memref_slice %arg9[%dma_start3A_210, %dma_start3A_211] : memref<6x120xi32, #tpu.memory_space<vmem>> -> memref<1x120xi32, #tpu.memory_space<vmem>>
          %dma_start3A_213 = tpu.memref_squeeze %dma_start3A_212 : memref<1x120xi32, #tpu.memory_space<vmem>> -> memref<120xi32, #tpu.memory_space<vmem>>
          %dma_start3A_214 = arith.constant 0 : i32
          %dma_start3A_215 = arith.constant 0 : i32
          %dma_start3A_216 = tpu.memref_slice %arg2[%dma_start3A_214, %dma_start3A_215] : memref<10000x128xf32, #tpu.memory_space<hbm>> -> memref<10000x128xf32, #tpu.memory_space<hbm>>
          tpu.enqueue_indirect_dma source(%dma_start3A_216 : memref<10000x128xf32, #tpu.memory_space<hbm>>) target(%arg10 : memref<120x128xf32, #tpu.memory_space<vmem>>) offsets(%dma_start3A_213 : memref<120xi32, #tpu.memory_space<vmem>>) semaphore(%arg13 : memref<!tpu.dma_semaphore, #tpu.memory_space<semaphore_mem>>)
        } else {
        }
        %dma_wait3A_177 = arith.constant 0 : i32
        %dma_wait3A_178 = arith.constant 0 : i32
        %dma_wait3A_179 = tpu.memref_slice %arg2[%dma_wait3A_177, %dma_wait3A_178] : memref<10000x128xf32, #tpu.memory_space<hbm>> -> memref<120x128xf32, #tpu.memory_space<hbm>>
        %dma_wait3A_180 = arith.constant 0 : i32
        %dma_wait3A_181 = arith.constant 0 : i32
        %dma_wait3A_182 = tpu.memref_slice %arg2[%dma_wait3A_180, %dma_wait3A_181] : memref<10000x128xf32, #tpu.memory_space<hbm>> -> memref<120x128xf32, #tpu.memory_space<hbm>>
        tpu.wait_dma2 semaphore(%arg14 : memref<!tpu.dma_semaphore, #tpu.memory_space<semaphore_mem>>) src(%dma_wait3A_182 : memref<120x128xf32, #tpu.memory_space<hbm>>) dst(%arg11 : memref<120x128xf32, #tpu.memory_space<vmem>>)
        %run_scoped3A_183 = arith.constant 4 : i32
        "tpu.region"() ({
          %run_scoped3A_194 = tpu.sem_alloc : memref<!tpu.dma_semaphore, #tpu.memory_space<semaphore_mem>>
          %dma_start3A_195 = arith.constant 0 : i32
          %dma_start3A_196 = tpu.memref_slice %arg6[%run_scoped3A_183, %dma_start3A_195] : memref<6x120xi32, #tpu.memory_space<vmem>> -> memref<1x120xi32, #tpu.memory_space<vmem>>
          %dma_start3A_197 = tpu.memref_squeeze %dma_start3A_196 : memref<1x120xi32, #tpu.memory_space<vmem>> -> memref<120xi32, #tpu.memory_space<vmem>>
          %dma_start3A_198 = arith.constant 0 : i32
          %dma_start3A_199 = arith.constant 0 : i32
          %dma_start3A_200 = tpu.memref_slice %arg17[%dma_start3A_198, %dma_start3A_199] : memref<10008x128xf32, #tpu.memory_space<vmem_shared>> -> memref<10008x128xf32, #tpu.memory_space<vmem_shared>>
          tpu.enqueue_indirect_dma source(%arg11 : memref<120x128xf32, #tpu.memory_space<vmem>>) target(%dma_start3A_200 : memref<10008x128xf32, #tpu.memory_space<vmem_shared>>) offsets(%dma_start3A_197 : memref<120xi32, #tpu.memory_space<vmem>>) semaphore(%run_scoped3A_194 : memref<!tpu.dma_semaphore, #tpu.memory_space<semaphore_mem>>) {add = true}
          %dma_wait3A_201 = arith.constant 0 : i32
          %dma_wait3A_202 = tpu.memref_slice %arg6[%run_scoped3A_183, %dma_wait3A_201] : memref<6x120xi32, #tpu.memory_space<vmem>> -> memref<1x120xi32, #tpu.memory_space<vmem>>
          %dma_wait3A_203 = tpu.memref_squeeze %dma_wait3A_202 : memref<1x120xi32, #tpu.memory_space<vmem>> -> memref<120xi32, #tpu.memory_space<vmem>>
          %dma_wait3A_204 = arith.constant 0 : i32
          %dma_wait3A_205 = arith.constant 0 : i32
          %dma_wait3A_206 = tpu.memref_slice %arg17[%dma_wait3A_204, %dma_wait3A_205] : memref<10008x128xf32, #tpu.memory_space<vmem_shared>> -> memref<10008x128xf32, #tpu.memory_space<vmem_shared>>
          tpu.wait_indirect_dma semaphore(%run_scoped3A_194 : memref<!tpu.dma_semaphore, #tpu.memory_space<semaphore_mem>>) src(%arg11 : memref<120x128xf32, #tpu.memory_space<vmem>>) dst(%dma_wait3A_206 : memref<10008x128xf32, #tpu.memory_space<vmem_shared>>)
          tpu.yield
        }) : () -> ()
        %convert_element_type3A_184 = arith.extui %lt3A_118 : i1 to i32
        %cond3A_185 = arith.constant 0 : i32
        %cond3A_186 = arith.cmpi ne, %convert_element_type3A_184, %cond3A_185 : i32
        scf.if %cond3A_186 {
          %dma_start3A_194 = arith.constant 1 : i32
          %dma_start3A_195 = arith.constant 0 : i32
          %dma_start3A_196 = tpu.memref_slice %arg9[%dma_start3A_194, %dma_start3A_195] : memref<6x120xi32, #tpu.memory_space<vmem>> -> memref<1x120xi32, #tpu.memory_space<vmem>>
          %dma_start3A_197 = tpu.memref_squeeze %dma_start3A_196 : memref<1x120xi32, #tpu.memory_space<vmem>> -> memref<120xi32, #tpu.memory_space<vmem>>
          %dma_start3A_198 = arith.constant 0 : i32
          %dma_start3A_199 = arith.constant 0 : i32
          %dma_start3A_200 = tpu.memref_slice %arg2[%dma_start3A_198, %dma_start3A_199] : memref<10000x128xf32, #tpu.memory_space<hbm>> -> memref<10000x128xf32, #tpu.memory_space<hbm>>
          tpu.enqueue_indirect_dma source(%dma_start3A_200 : memref<10000x128xf32, #tpu.memory_space<hbm>>) target(%arg11 : memref<120x128xf32, #tpu.memory_space<vmem>>) offsets(%dma_start3A_197 : memref<120xi32, #tpu.memory_space<vmem>>) semaphore(%arg14 : memref<!tpu.dma_semaphore, #tpu.memory_space<semaphore_mem>>)
        } else {
        }
        %dma_wait3A_187 = arith.constant 0 : i32
        %dma_wait3A_188 = arith.constant 0 : i32
        %dma_wait3A_189 = tpu.memref_slice %arg2[%dma_wait3A_187, %dma_wait3A_188] : memref<10000x128xf32, #tpu.memory_space<hbm>> -> memref<120x128xf32, #tpu.memory_space<hbm>>
        %dma_wait3A_190 = arith.constant 0 : i32
        %dma_wait3A_191 = arith.constant 0 : i32
        %dma_wait3A_192 = tpu.memref_slice %arg2[%dma_wait3A_190, %dma_wait3A_191] : memref<10000x128xf32, #tpu.memory_space<hbm>> -> memref<120x128xf32, #tpu.memory_space<hbm>>
        tpu.wait_dma2 semaphore(%arg15 : memref<!tpu.dma_semaphore, #tpu.memory_space<semaphore_mem>>) src(%dma_wait3A_192 : memref<120x128xf32, #tpu.memory_space<hbm>>) dst(%arg12 : memref<120x128xf32, #tpu.memory_space<vmem>>)
        %run_scoped3A_193 = arith.constant 5 : i32
        "tpu.region"() ({
          %run_scoped3A_194 = tpu.sem_alloc : memref<!tpu.dma_semaphore, #tpu.memory_space<semaphore_mem>>
          %dma_start3A_195 = arith.constant 0 : i32
          %dma_start3A_196 = tpu.memref_slice %arg6[%run_scoped3A_193, %dma_start3A_195] : memref<6x120xi32, #tpu.memory_space<vmem>> -> memref<1x120xi32, #tpu.memory_space<vmem>>
          %dma_start3A_197 = tpu.memref_squeeze %dma_start3A_196 : memref<1x120xi32, #tpu.memory_space<vmem>> -> memref<120xi32, #tpu.memory_space<vmem>>
          %dma_start3A_198 = arith.constant 0 : i32
          %dma_start3A_199 = arith.constant 0 : i32
          %dma_start3A_200 = tpu.memref_slice %arg17[%dma_start3A_198, %dma_start3A_199] : memref<10008x128xf32, #tpu.memory_space<vmem_shared>> -> memref<10008x128xf32, #tpu.memory_space<vmem_shared>>
          tpu.enqueue_indirect_dma source(%arg12 : memref<120x128xf32, #tpu.memory_space<vmem>>) target(%dma_start3A_200 : memref<10008x128xf32, #tpu.memory_space<vmem_shared>>) offsets(%dma_start3A_197 : memref<120xi32, #tpu.memory_space<vmem>>) semaphore(%run_scoped3A_194 : memref<!tpu.dma_semaphore, #tpu.memory_space<semaphore_mem>>) {add = true}
          %dma_wait3A_201 = arith.constant 0 : i32
          %dma_wait3A_202 = tpu.memref_slice %arg6[%run_scoped3A_193, %dma_wait3A_201] : memref<6x120xi32, #tpu.memory_space<vmem>> -> memref<1x120xi32, #tpu.memory_space<vmem>>
          %dma_wait3A_203 = tpu.memref_squeeze %dma_wait3A_202 : memref<1x120xi32, #tpu.memory_space<vmem>> -> memref<120xi32, #tpu.memory_space<vmem>>
          %dma_wait3A_204 = arith.constant 0 : i32
          %dma_wait3A_205 = arith.constant 0 : i32
          %dma_wait3A_206 = tpu.memref_slice %arg17[%dma_wait3A_204, %dma_wait3A_205] : memref<10008x128xf32, #tpu.memory_space<vmem_shared>> -> memref<10008x128xf32, #tpu.memory_space<vmem_shared>>
          tpu.wait_indirect_dma semaphore(%run_scoped3A_194 : memref<!tpu.dma_semaphore, #tpu.memory_space<semaphore_mem>>) src(%arg12 : memref<120x128xf32, #tpu.memory_space<vmem>>) dst(%dma_wait3A_206 : memref<10008x128xf32, #tpu.memory_space<vmem_shared>>)
          tpu.yield
        }) : () -> ()
      } else {
      }
      %jit3A_87 = arith.constant 2 : i32
      %eq3A_88 = arith.constant 0 : i32
      %eq3A_89 = arith.cmpi eq, %jit3A_87, %eq3A_88 : i32
      %jit3A_90 = arith.constant 1 : i32
      %select_n3A_91 = arith.select %eq3A_89, %jit3A_90, %jit3A_87 : i32
      %rem3A_92 = arith.remsi %scan3A_71, %select_n3A_91 : i32
      %ne3A_93 = arith.constant 0 : i32
      %ne3A_94 = arith.cmpi ne, %rem3A_92, %ne3A_93 : i32
      %lt3A_95 = arith.constant 0 : i32
      %lt3A_96 = arith.cmpi slt, %rem3A_92, %lt3A_95 : i32
      %lt3A_97 = arith.constant 0 : i32
      %lt3A_98 = arith.cmpi slt, %select_n3A_91, %lt3A_97 : i32
      %ne3A_99 = arith.xori %lt3A_96, %lt3A_98 : i1
      %and3A_100 = arith.andi %ne3A_99, %ne3A_94 : i1
      %add3A_101 = arith.addi %rem3A_92, %select_n3A_91 : i32
      %select_n3A_102 = arith.select %and3A_100, %add3A_101, %rem3A_92 : i32
      %eq3A_103 = arith.constant 1 : i32
      %eq3A_104 = arith.cmpi eq, %select_n3A_102, %eq3A_103 : i32
      %convert_element_type3A_105 = arith.extui %eq3A_104 : i1 to i32
      %cond3A_106 = arith.constant 0 : i32
      %cond3A_107 = arith.cmpi ne, %convert_element_type3A_105, %cond3A_106 : i32
      scf.if %cond3A_107 {
        %add3A_108 = arith.constant 1 : i32
        %add3A_109 = arith.addi %scan3A_71, %add3A_108 : i32
        %lt3A_110 = arith.constant 28 : i32
        %lt3A_111 = arith.cmpi slt, %add3A_109, %lt3A_110 : i32
        %convert_element_type3A_112 = arith.extui %lt3A_111 : i1 to i32
        %cond3A_113 = arith.constant 0 : i32
        %cond3A_114 = arith.cmpi ne, %convert_element_type3A_112, %cond3A_113 : i32
        scf.if %cond3A_114 {
          %add3A_194 = arith.constant 1 : i32
          %add3A_195 = arith.addi %scan3A_71, %add3A_194 : i32
          %mul3A_196 = arith.constant 6 : i32
          %mul3A_197 = arith.muli %add3A_195, %mul3A_196 : i32
          %multiple_of3A_198 = tpu.assume_multiple %mul3A_197, 6 : i32
          %dma_start3A_199 = arith.constant 0 : i32
          %dma_start3A_200 = tpu.memref_slice %arg3[%arg0, %arg1, %multiple_of3A_198, %dma_start3A_199] : memref<2x16x168x120xi32, #tpu.memory_space<hbm>> -> memref<1x1x6x120xi32, #tpu.memory_space<hbm>>
          %dma_start3A_201 = tpu.memref_squeeze %dma_start3A_200 : memref<1x1x6x120xi32, #tpu.memory_space<hbm>> -> memref<6x120xi32, #tpu.memory_space<hbm>>
          %dma_start3A_202 = arith.constant 0 : i32
          %dma_start3A_203 = tpu.memref_slice %arg3[%arg0, %arg1, %multiple_of3A_198, %dma_start3A_202] : memref<2x16x168x120xi32, #tpu.memory_space<hbm>> -> memref<1x1x6x120xi32, #tpu.memory_space<hbm>>
          %dma_start3A_204 = tpu.memref_squeeze %dma_start3A_203 : memref<1x1x6x120xi32, #tpu.memory_space<hbm>> -> memref<6x120xi32, #tpu.memory_space<hbm>>
          tpu.enqueue_dma source(%dma_start3A_204 : memref<6x120xi32, #tpu.memory_space<hbm>>) target(%arg6 : memref<6x120xi32, #tpu.memory_space<vmem>>) target_semaphore(%arg16 : memref<!tpu.dma_semaphore, #tpu.memory_space<semaphore_mem>>)
          %dma_start3A_205 = arith.constant 0 : i32
          %dma_start3A_206 = tpu.memref_slice %arg4[%arg0, %arg1, %multiple_of3A_198, %dma_start3A_205] : memref<2x16x168x120xi32, #tpu.memory_space<hbm>> -> memref<1x1x6x120xi32, #tpu.memory_space<hbm>>
          %dma_start3A_207 = tpu.memref_squeeze %dma_start3A_206 : memref<1x1x6x120xi32, #tpu.memory_space<hbm>> -> memref<6x120xi32, #tpu.memory_space<hbm>>
          %dma_start3A_208 = arith.constant 0 : i32
          %dma_start3A_209 = tpu.memref_slice %arg4[%arg0, %arg1, %multiple_of3A_198, %dma_start3A_208] : memref<2x16x168x120xi32, #tpu.memory_space<hbm>> -> memref<1x1x6x120xi32, #tpu.memory_space<hbm>>
          %dma_start3A_210 = tpu.memref_squeeze %dma_start3A_209 : memref<1x1x6x120xi32, #tpu.memory_space<hbm>> -> memref<6x120xi32, #tpu.memory_space<hbm>>
          tpu.enqueue_dma source(%dma_start3A_210 : memref<6x120xi32, #tpu.memory_space<hbm>>) target(%arg7 : memref<6x120xi32, #tpu.memory_space<vmem>>) target_semaphore(%arg16 : memref<!tpu.dma_semaphore, #tpu.memory_space<semaphore_mem>>)
        } else {
        }
        %add3A_115 = arith.constant 1 : i32
        %add3A_116 = arith.addi %scan3A_71, %add3A_115 : i32
        %lt3A_117 = arith.constant 28 : i32
        %lt3A_118 = arith.cmpi slt, %add3A_116, %lt3A_117 : i32
        %dma_start3A_119 = arith.constant 2 : i32
        %dma_start3A_120 = arith.constant 0 : i32
        %dma_start3A_121 = tpu.memref_slice %arg9[%dma_start3A_119, %dma_start3A_120] : memref<6x120xi32, #tpu.memory_space<vmem>> -> memref<1x120xi32, #tpu.memory_space<vmem>>
        %dma_start3A_122 = tpu.memref_squeeze %dma_start3A_121 : memref<1x120xi32, #tpu.memory_space<vmem>> -> memref<120xi32, #tpu.memory_space<vmem>>
        %dma_start3A_123 = arith.constant 0 : i32
        %dma_start3A_124 = arith.constant 0 : i32
        %dma_start3A_125 = tpu.memref_slice %arg2[%dma_start3A_123, %dma_start3A_124] : memref<10000x128xf32, #tpu.memory_space<hbm>> -> memref<10000x128xf32, #tpu.memory_space<hbm>>
        tpu.enqueue_indirect_dma source(%dma_start3A_125 : memref<10000x128xf32, #tpu.memory_space<hbm>>) target(%arg12 : memref<120x128xf32, #tpu.memory_space<vmem>>) offsets(%dma_start3A_122 : memref<120xi32, #tpu.memory_space<vmem>>) semaphore(%arg15 : memref<!tpu.dma_semaphore, #tpu.memory_space<semaphore_mem>>)
        %dma_wait3A_126 = arith.constant 0 : i32
        %dma_wait3A_127 = arith.constant 0 : i32
        %dma_wait3A_128 = tpu.memref_slice %arg2[%dma_wait3A_126, %dma_wait3A_127] : memref<10000x128xf32, #tpu.memory_space<hbm>> -> memref<120x128xf32, #tpu.memory_space<hbm>>
        %dma_wait3A_129 = arith.constant 0 : i32
        %dma_wait3A_130 = arith.constant 0 : i32
        %dma_wait3A_131 = tpu.memref_slice %arg2[%dma_wait3A_129, %dma_wait3A_130] : memref<10000x128xf32, #tpu.memory_space<hbm>> -> memref<120x128xf32, #tpu.memory_space<hbm>>
        tpu.wait_dma2 semaphore(%arg13 : memref<!tpu.dma_semaphore, #tpu.memory_space<semaphore_mem>>) src(%dma_wait3A_131 : memref<120x128xf32, #tpu.memory_space<hbm>>) dst(%arg10 : memref<120x128xf32, #tpu.memory_space<vmem>>)
        %run_scoped3A = arith.constant 0 : i32
        "tpu.region"() ({
          %run_scoped3A_194 = tpu.sem_alloc : memref<!tpu.dma_semaphore, #tpu.memory_space<semaphore_mem>>
          %dma_start3A_195 = arith.constant 0 : i32
          %dma_start3A_196 = tpu.memref_slice %arg8[%run_scoped3A, %dma_start3A_195] : memref<6x120xi32, #tpu.memory_space<vmem>> -> memref<1x120xi32, #tpu.memory_space<vmem>>
          %dma_start3A_197 = tpu.memref_squeeze %dma_start3A_196 : memref<1x120xi32, #tpu.memory_space<vmem>> -> memref<120xi32, #tpu.memory_space<vmem>>
          %dma_start3A_198 = arith.constant 0 : i32
          %dma_start3A_199 = arith.constant 0 : i32
          %dma_start3A_200 = tpu.memref_slice %arg17[%dma_start3A_198, %dma_start3A_199] : memref<10008x128xf32, #tpu.memory_space<vmem_shared>> -> memref<10008x128xf32, #tpu.memory_space<vmem_shared>>
          tpu.enqueue_indirect_dma source(%arg10 : memref<120x128xf32, #tpu.memory_space<vmem>>) target(%dma_start3A_200 : memref<10008x128xf32, #tpu.memory_space<vmem_shared>>) offsets(%dma_start3A_197 : memref<120xi32, #tpu.memory_space<vmem>>) semaphore(%run_scoped3A_194 : memref<!tpu.dma_semaphore, #tpu.memory_space<semaphore_mem>>) {add = true}
          %dma_wait3A_201 = arith.constant 0 : i32
          %dma_wait3A_202 = tpu.memref_slice %arg8[%run_scoped3A, %dma_wait3A_201] : memref<6x120xi32, #tpu.memory_space<vmem>> -> memref<1x120xi32, #tpu.memory_space<vmem>>
          %dma_wait3A_203 = tpu.memref_squeeze %dma_wait3A_202 : memref<1x120xi32, #tpu.memory_space<vmem>> -> memref<120xi32, #tpu.memory_space<vmem>>
          %dma_wait3A_204 = arith.constant 0 : i32
          %dma_wait3A_205 = arith.constant 0 : i32
          %dma_wait3A_206 = tpu.memref_slice %arg17[%dma_wait3A_204, %dma_wait3A_205] : memref<10008x128xf32, #tpu.memory_space<vmem_shared>> -> memref<10008x128xf32, #tpu.memory_space<vmem_shared>>
          tpu.wait_indirect_dma semaphore(%run_scoped3A_194 : memref<!tpu.dma_semaphore, #tpu.memory_space<semaphore_mem>>) src(%arg10 : memref<120x128xf32, #tpu.memory_space<vmem>>) dst(%dma_wait3A_206 : memref<10008x128xf32, #tpu.memory_space<vmem_shared>>)
          tpu.yield
        }) : () -> ()
        %dma_start3A_132 = arith.constant 3 : i32
        %dma_start3A_133 = arith.constant 0 : i32
        %dma_start3A_134 = tpu.memref_slice %arg9[%dma_start3A_132, %dma_start3A_133] : memref<6x120xi32, #tpu.memory_space<vmem>> -> memref<1x120xi32, #tpu.memory_space<vmem>>
        %dma_start3A_135 = tpu.memref_squeeze %dma_start3A_134 : memref<1x120xi32, #tpu.memory_space<vmem>> -> memref<120xi32, #tpu.memory_space<vmem>>
        %dma_start3A_136 = arith.constant 0 : i32
        %dma_start3A_137 = arith.constant 0 : i32
        %dma_start3A_138 = tpu.memref_slice %arg2[%dma_start3A_136, %dma_start3A_137] : memref<10000x128xf32, #tpu.memory_space<hbm>> -> memref<10000x128xf32, #tpu.memory_space<hbm>>
        tpu.enqueue_indirect_dma source(%dma_start3A_138 : memref<10000x128xf32, #tpu.memory_space<hbm>>) target(%arg10 : memref<120x128xf32, #tpu.memory_space<vmem>>) offsets(%dma_start3A_135 : memref<120xi32, #tpu.memory_space<vmem>>) semaphore(%arg13 : memref<!tpu.dma_semaphore, #tpu.memory_space<semaphore_mem>>)
        %dma_wait3A_139 = arith.constant 0 : i32
        %dma_wait3A_140 = arith.constant 0 : i32
        %dma_wait3A_141 = tpu.memref_slice %arg2[%dma_wait3A_139, %dma_wait3A_140] : memref<10000x128xf32, #tpu.memory_space<hbm>> -> memref<120x128xf32, #tpu.memory_space<hbm>>
        %dma_wait3A_142 = arith.constant 0 : i32
        %dma_wait3A_143 = arith.constant 0 : i32
        %dma_wait3A_144 = tpu.memref_slice %arg2[%dma_wait3A_142, %dma_wait3A_143] : memref<10000x128xf32, #tpu.memory_space<hbm>> -> memref<120x128xf32, #tpu.memory_space<hbm>>
        tpu.wait_dma2 semaphore(%arg14 : memref<!tpu.dma_semaphore, #tpu.memory_space<semaphore_mem>>) src(%dma_wait3A_144 : memref<120x128xf32, #tpu.memory_space<hbm>>) dst(%arg11 : memref<120x128xf32, #tpu.memory_space<vmem>>)
        %run_scoped3A_145 = arith.constant 1 : i32
        "tpu.region"() ({
          %run_scoped3A_194 = tpu.sem_alloc : memref<!tpu.dma_semaphore, #tpu.memory_space<semaphore_mem>>
          %dma_start3A_195 = arith.constant 0 : i32
          %dma_start3A_196 = tpu.memref_slice %arg8[%run_scoped3A_145, %dma_start3A_195] : memref<6x120xi32, #tpu.memory_space<vmem>> -> memref<1x120xi32, #tpu.memory_space<vmem>>
          %dma_start3A_197 = tpu.memref_squeeze %dma_start3A_196 : memref<1x120xi32, #tpu.memory_space<vmem>> -> memref<120xi32, #tpu.memory_space<vmem>>
          %dma_start3A_198 = arith.constant 0 : i32
          %dma_start3A_199 = arith.constant 0 : i32
          %dma_start3A_200 = tpu.memref_slice %arg17[%dma_start3A_198, %dma_start3A_199] : memref<10008x128xf32, #tpu.memory_space<vmem_shared>> -> memref<10008x128xf32, #tpu.memory_space<vmem_shared>>
          tpu.enqueue_indirect_dma source(%arg11 : memref<120x128xf32, #tpu.memory_space<vmem>>) target(%dma_start3A_200 : memref<10008x128xf32, #tpu.memory_space<vmem_shared>>) offsets(%dma_start3A_197 : memref<120xi32, #tpu.memory_space<vmem>>) semaphore(%run_scoped3A_194 : memref<!tpu.dma_semaphore, #tpu.memory_space<semaphore_mem>>) {add = true}
          %dma_wait3A_201 = arith.constant 0 : i32
          %dma_wait3A_202 = tpu.memref_slice %arg8[%run_scoped3A_145, %dma_wait3A_201] : memref<6x120xi32, #tpu.memory_space<vmem>> -> memref<1x120xi32, #tpu.memory_space<vmem>>
          %dma_wait3A_203 = tpu.memref_squeeze %dma_wait3A_202 : memref<1x120xi32, #tpu.memory_space<vmem>> -> memref<120xi32, #tpu.memory_space<vmem>>
          %dma_wait3A_204 = arith.constant 0 : i32
          %dma_wait3A_205 = arith.constant 0 : i32
          %dma_wait3A_206 = tpu.memref_slice %arg17[%dma_wait3A_204, %dma_wait3A_205] : memref<10008x128xf32, #tpu.memory_space<vmem_shared>> -> memref<10008x128xf32, #tpu.memory_space<vmem_shared>>
          tpu.wait_indirect_dma semaphore(%run_scoped3A_194 : memref<!tpu.dma_semaphore, #tpu.memory_space<semaphore_mem>>) src(%arg11 : memref<120x128xf32, #tpu.memory_space<vmem>>) dst(%dma_wait3A_206 : memref<10008x128xf32, #tpu.memory_space<vmem_shared>>)
          tpu.yield
        }) : () -> ()
        %dma_start3A_146 = arith.constant 4 : i32
        %dma_start3A_147 = arith.constant 0 : i32
        %dma_start3A_148 = tpu.memref_slice %arg9[%dma_start3A_146, %dma_start3A_147] : memref<6x120xi32, #tpu.memory_space<vmem>> -> memref<1x120xi32, #tpu.memory_space<vmem>>
        %dma_start3A_149 = tpu.memref_squeeze %dma_start3A_148 : memref<1x120xi32, #tpu.memory_space<vmem>> -> memref<120xi32, #tpu.memory_space<vmem>>
        %dma_start3A_150 = arith.constant 0 : i32
        %dma_start3A_151 = arith.constant 0 : i32
        %dma_start3A_152 = tpu.memref_slice %arg2[%dma_start3A_150, %dma_start3A_151] : memref<10000x128xf32, #tpu.memory_space<hbm>> -> memref<10000x128xf32, #tpu.memory_space<hbm>>
        tpu.enqueue_indirect_dma source(%dma_start3A_152 : memref<10000x128xf32, #tpu.memory_space<hbm>>) target(%arg11 : memref<120x128xf32, #tpu.memory_space<vmem>>) offsets(%dma_start3A_149 : memref<120xi32, #tpu.memory_space<vmem>>) semaphore(%arg14 : memref<!tpu.dma_semaphore, #tpu.memory_space<semaphore_mem>>)
        %dma_wait3A_153 = arith.constant 0 : i32
        %dma_wait3A_154 = arith.constant 0 : i32
        %dma_wait3A_155 = tpu.memref_slice %arg2[%dma_wait3A_153, %dma_wait3A_154] : memref<10000x128xf32, #tpu.memory_space<hbm>> -> memref<120x128xf32, #tpu.memory_space<hbm>>
        %dma_wait3A_156 = arith.constant 0 : i32
        %dma_wait3A_157 = arith.constant 0 : i32
        %dma_wait3A_158 = tpu.memref_slice %arg2[%dma_wait3A_156, %dma_wait3A_157] : memref<10000x128xf32, #tpu.memory_space<hbm>> -> memref<120x128xf32, #tpu.memory_space<hbm>>
        tpu.wait_dma2 semaphore(%arg15 : memref<!tpu.dma_semaphore, #tpu.memory_space<semaphore_mem>>) src(%dma_wait3A_158 : memref<120x128xf32, #tpu.memory_space<hbm>>) dst(%arg12 : memref<120x128xf32, #tpu.memory_space<vmem>>)
        %run_scoped3A_159 = arith.constant 2 : i32
        "tpu.region"() ({
          %run_scoped3A_194 = tpu.sem_alloc : memref<!tpu.dma_semaphore, #tpu.memory_space<semaphore_mem>>
          %dma_start3A_195 = arith.constant 0 : i32
          %dma_start3A_196 = tpu.memref_slice %arg8[%run_scoped3A_159, %dma_start3A_195] : memref<6x120xi32, #tpu.memory_space<vmem>> -> memref<1x120xi32, #tpu.memory_space<vmem>>
          %dma_start3A_197 = tpu.memref_squeeze %dma_start3A_196 : memref<1x120xi32, #tpu.memory_space<vmem>> -> memref<120xi32, #tpu.memory_space<vmem>>
          %dma_start3A_198 = arith.constant 0 : i32
          %dma_start3A_199 = arith.constant 0 : i32
          %dma_start3A_200 = tpu.memref_slice %arg17[%dma_start3A_198, %dma_start3A_199] : memref<10008x128xf32, #tpu.memory_space<vmem_shared>> -> memref<10008x128xf32, #tpu.memory_space<vmem_shared>>
          tpu.enqueue_indirect_dma source(%arg12 : memref<120x128xf32, #tpu.memory_space<vmem>>) target(%dma_start3A_200 : memref<10008x128xf32, #tpu.memory_space<vmem_shared>>) offsets(%dma_start3A_197 : memref<120xi32, #tpu.memory_space<vmem>>) semaphore(%run_scoped3A_194 : memref<!tpu.dma_semaphore, #tpu.memory_space<semaphore_mem>>) {add = true}
          %dma_wait3A_201 = arith.constant 0 : i32
          %dma_wait3A_202 = tpu.memref_slice %arg8[%run_scoped3A_159, %dma_wait3A_201] : memref<6x120xi32, #tpu.memory_space<vmem>> -> memref<1x120xi32, #tpu.memory_space<vmem>>
          %dma_wait3A_203 = tpu.memref_squeeze %dma_wait3A_202 : memref<1x120xi32, #tpu.memory_space<vmem>> -> memref<120xi32, #tpu.memory_space<vmem>>
          %dma_wait3A_204 = arith.constant 0 : i32
          %dma_wait3A_205 = arith.constant 0 : i32
          %dma_wait3A_206 = tpu.memref_slice %arg17[%dma_wait3A_204, %dma_wait3A_205] : memref<10008x128xf32, #tpu.memory_space<vmem_shared>> -> memref<10008x128xf32, #tpu.memory_space<vmem_shared>>
          tpu.wait_indirect_dma semaphore(%run_scoped3A_194 : memref<!tpu.dma_semaphore, #tpu.memory_space<semaphore_mem>>) src(%arg12 : memref<120x128xf32, #tpu.memory_space<vmem>>) dst(%dma_wait3A_206 : memref<10008x128xf32, #tpu.memory_space<vmem_shared>>)
          tpu.yield
        }) : () -> ()
        %dma_start3A_160 = arith.constant 5 : i32
        %dma_start3A_161 = arith.constant 0 : i32
        %dma_start3A_162 = tpu.memref_slice %arg9[%dma_start3A_160, %dma_start3A_161] : memref<6x120xi32, #tpu.memory_space<vmem>> -> memref<1x120xi32, #tpu.memory_space<vmem>>
        %dma_start3A_163 = tpu.memref_squeeze %dma_start3A_162 : memref<1x120xi32, #tpu.memory_space<vmem>> -> memref<120xi32, #tpu.memory_space<vmem>>
        %dma_start3A_164 = arith.constant 0 : i32
        %dma_start3A_165 = arith.constant 0 : i32
        %dma_start3A_166 = tpu.memref_slice %arg2[%dma_start3A_164, %dma_start3A_165] : memref<10000x128xf32, #tpu.memory_space<hbm>> -> memref<10000x128xf32, #tpu.memory_space<hbm>>
        tpu.enqueue_indirect_dma source(%dma_start3A_166 : memref<10000x128xf32, #tpu.memory_space<hbm>>) target(%arg12 : memref<120x128xf32, #tpu.memory_space<vmem>>) offsets(%dma_start3A_163 : memref<120xi32, #tpu.memory_space<vmem>>) semaphore(%arg15 : memref<!tpu.dma_semaphore, #tpu.memory_space<semaphore_mem>>)
        %dma_wait3A_167 = arith.constant 0 : i32
        %dma_wait3A_168 = arith.constant 0 : i32
        %dma_wait3A_169 = tpu.memref_slice %arg2[%dma_wait3A_167, %dma_wait3A_168] : memref<10000x128xf32, #tpu.memory_space<hbm>> -> memref<120x128xf32, #tpu.memory_space<hbm>>
        %dma_wait3A_170 = arith.constant 0 : i32
        %dma_wait3A_171 = arith.constant 0 : i32
        %dma_wait3A_172 = tpu.memref_slice %arg2[%dma_wait3A_170, %dma_wait3A_171] : memref<10000x128xf32, #tpu.memory_space<hbm>> -> memref<120x128xf32, #tpu.memory_space<hbm>>
        tpu.wait_dma2 semaphore(%arg13 : memref<!tpu.dma_semaphore, #tpu.memory_space<semaphore_mem>>) src(%dma_wait3A_172 : memref<120x128xf32, #tpu.memory_space<hbm>>) dst(%arg10 : memref<120x128xf32, #tpu.memory_space<vmem>>)
        %run_scoped3A_173 = arith.constant 3 : i32
        "tpu.region"() ({
          %run_scoped3A_194 = tpu.sem_alloc : memref<!tpu.dma_semaphore, #tpu.memory_space<semaphore_mem>>
          %dma_start3A_195 = arith.constant 0 : i32
          %dma_start3A_196 = tpu.memref_slice %arg8[%run_scoped3A_173, %dma_start3A_195] : memref<6x120xi32, #tpu.memory_space<vmem>> -> memref<1x120xi32, #tpu.memory_space<vmem>>
          %dma_start3A_197 = tpu.memref_squeeze %dma_start3A_196 : memref<1x120xi32, #tpu.memory_space<vmem>> -> memref<120xi32, #tpu.memory_space<vmem>>
          %dma_start3A_198 = arith.constant 0 : i32
          %dma_start3A_199 = arith.constant 0 : i32
          %dma_start3A_200 = tpu.memref_slice %arg17[%dma_start3A_198, %dma_start3A_199] : memref<10008x128xf32, #tpu.memory_space<vmem_shared>> -> memref<10008x128xf32, #tpu.memory_space<vmem_shared>>
          tpu.enqueue_indirect_dma source(%arg10 : memref<120x128xf32, #tpu.memory_space<vmem>>) target(%dma_start3A_200 : memref<10008x128xf32, #tpu.memory_space<vmem_shared>>) offsets(%dma_start3A_197 : memref<120xi32, #tpu.memory_space<vmem>>) semaphore(%run_scoped3A_194 : memref<!tpu.dma_semaphore, #tpu.memory_space<semaphore_mem>>) {add = true}
          %dma_wait3A_201 = arith.constant 0 : i32
          %dma_wait3A_202 = tpu.memref_slice %arg8[%run_scoped3A_173, %dma_wait3A_201] : memref<6x120xi32, #tpu.memory_space<vmem>> -> memref<1x120xi32, #tpu.memory_space<vmem>>
          %dma_wait3A_203 = tpu.memref_squeeze %dma_wait3A_202 : memref<1x120xi32, #tpu.memory_space<vmem>> -> memref<120xi32, #tpu.memory_space<vmem>>
          %dma_wait3A_204 = arith.constant 0 : i32
          %dma_wait3A_205 = arith.constant 0 : i32
          %dma_wait3A_206 = tpu.memref_slice %arg17[%dma_wait3A_204, %dma_wait3A_205] : memref<10008x128xf32, #tpu.memory_space<vmem_shared>> -> memref<10008x128xf32, #tpu.memory_space<vmem_shared>>
          tpu.wait_indirect_dma semaphore(%run_scoped3A_194 : memref<!tpu.dma_semaphore, #tpu.memory_space<semaphore_mem>>) src(%arg10 : memref<120x128xf32, #tpu.memory_space<vmem>>) dst(%dma_wait3A_206 : memref<10008x128xf32, #tpu.memory_space<vmem_shared>>)
          tpu.yield
        }) : () -> ()
        %convert_element_type3A_174 = arith.extui %lt3A_118 : i1 to i32
        %cond3A_175 = arith.constant 0 : i32
        %cond3A_176 = arith.cmpi ne, %convert_element_type3A_174, %cond3A_175 : i32
        scf.if %cond3A_176 {
          %dma_wait3A_194 = arith.constant 0 : i32
          %dma_wait3A_195 = arith.constant 0 : i32
          %dma_wait3A_196 = tpu.memref_slice %arg3[%arg0, %arg1, %dma_wait3A_194, %dma_wait3A_195] : memref<2x16x168x120xi32, #tpu.memory_space<hbm>> -> memref<1x1x6x120xi32, #tpu.memory_space<hbm>>
          %dma_wait3A_197 = tpu.memref_squeeze %dma_wait3A_196 : memref<1x1x6x120xi32, #tpu.memory_space<hbm>> -> memref<6x120xi32, #tpu.memory_space<hbm>>
          %dma_wait3A_198 = arith.constant 0 : i32
          %dma_wait3A_199 = arith.constant 0 : i32
          %dma_wait3A_200 = tpu.memref_slice %arg3[%arg0, %arg1, %dma_wait3A_198, %dma_wait3A_199] : memref<2x16x168x120xi32, #tpu.memory_space<hbm>> -> memref<1x1x6x120xi32, #tpu.memory_space<hbm>>
          %dma_wait3A_201 = tpu.memref_squeeze %dma_wait3A_200 : memref<1x1x6x120xi32, #tpu.memory_space<hbm>> -> memref<6x120xi32, #tpu.memory_space<hbm>>
          tpu.wait_dma2 semaphore(%arg16 : memref<!tpu.dma_semaphore, #tpu.memory_space<semaphore_mem>>) src(%dma_wait3A_201 : memref<6x120xi32, #tpu.memory_space<hbm>>) dst(%arg6 : memref<6x120xi32, #tpu.memory_space<vmem>>)
          %dma_wait3A_202 = arith.constant 0 : i32
          %dma_wait3A_203 = arith.constant 0 : i32
          %dma_wait3A_204 = tpu.memref_slice %arg4[%arg0, %arg1, %dma_wait3A_202, %dma_wait3A_203] : memref<2x16x168x120xi32, #tpu.memory_space<hbm>> -> memref<1x1x6x120xi32, #tpu.memory_space<hbm>>
          %dma_wait3A_205 = tpu.memref_squeeze %dma_wait3A_204 : memref<1x1x6x120xi32, #tpu.memory_space<hbm>> -> memref<6x120xi32, #tpu.memory_space<hbm>>
          %dma_wait3A_206 = arith.constant 0 : i32
          %dma_wait3A_207 = arith.constant 0 : i32
          %dma_wait3A_208 = tpu.memref_slice %arg4[%arg0, %arg1, %dma_wait3A_206, %dma_wait3A_207] : memref<2x16x168x120xi32, #tpu.memory_space<hbm>> -> memref<1x1x6x120xi32, #tpu.memory_space<hbm>>
          %dma_wait3A_209 = tpu.memref_squeeze %dma_wait3A_208 : memref<1x1x6x120xi32, #tpu.memory_space<hbm>> -> memref<6x120xi32, #tpu.memory_space<hbm>>
          tpu.wait_dma2 semaphore(%arg16 : memref<!tpu.dma_semaphore, #tpu.memory_space<semaphore_mem>>) src(%dma_wait3A_209 : memref<6x120xi32, #tpu.memory_space<hbm>>) dst(%arg7 : memref<6x120xi32, #tpu.memory_space<vmem>>)
          %dma_start3A_210 = arith.constant 0 : i32
          %dma_start3A_211 = arith.constant 0 : i32
          %dma_start3A_212 = tpu.memref_slice %arg7[%dma_start3A_210, %dma_start3A_211] : memref<6x120xi32, #tpu.memory_space<vmem>> -> memref<1x120xi32, #tpu.memory_space<vmem>>
          %dma_start3A_213 = tpu.memref_squeeze %dma_start3A_212 : memref<1x120xi32, #tpu.memory_space<vmem>> -> memref<120xi32, #tpu.memory_space<vmem>>
          %dma_start3A_214 = arith.constant 0 : i32
          %dma_start3A_215 = arith.constant 0 : i32
          %dma_start3A_216 = tpu.memref_slice %arg2[%dma_start3A_214, %dma_start3A_215] : memref<10000x128xf32, #tpu.memory_space<hbm>> -> memref<10000x128xf32, #tpu.memory_space<hbm>>
          tpu.enqueue_indirect_dma source(%dma_start3A_216 : memref<10000x128xf32, #tpu.memory_space<hbm>>) target(%arg10 : memref<120x128xf32, #tpu.memory_space<vmem>>) offsets(%dma_start3A_213 : memref<120xi32, #tpu.memory_space<vmem>>) semaphore(%arg13 : memref<!tpu.dma_semaphore, #tpu.memory_space<semaphore_mem>>)
        } else {
        }
        %dma_wait3A_177 = arith.constant 0 : i32
        %dma_wait3A_178 = arith.constant 0 : i32
        %dma_wait3A_179 = tpu.memref_slice %arg2[%dma_wait3A_177, %dma_wait3A_178] : memref<10000x128xf32, #tpu.memory_space<hbm>> -> memref<120x128xf32, #tpu.memory_space<hbm>>
        %dma_wait3A_180 = arith.constant 0 : i32
        %dma_wait3A_181 = arith.constant 0 : i32
        %dma_wait3A_182 = tpu.memref_slice %arg2[%dma_wait3A_180, %dma_wait3A_181] : memref<10000x128xf32, #tpu.memory_space<hbm>> -> memref<120x128xf32, #tpu.memory_space<hbm>>
        tpu.wait_dma2 semaphore(%arg14 : memref<!tpu.dma_semaphore, #tpu.memory_space<semaphore_mem>>) src(%dma_wait3A_182 : memref<120x128xf32, #tpu.memory_space<hbm>>) dst(%arg11 : memref<120x128xf32, #tpu.memory_space<vmem>>)
        %run_scoped3A_183 = arith.constant 4 : i32
        "tpu.region"() ({
          %run_scoped3A_194 = tpu.sem_alloc : memref<!tpu.dma_semaphore, #tpu.memory_space<semaphore_mem>>
          %dma_start3A_195 = arith.constant 0 : i32
          %dma_start3A_196 = tpu.memref_slice %arg8[%run_scoped3A_183, %dma_start3A_195] : memref<6x120xi32, #tpu.memory_space<vmem>> -> memref<1x120xi32, #tpu.memory_space<vmem>>
          %dma_start3A_197 = tpu.memref_squeeze %dma_start3A_196 : memref<1x120xi32, #tpu.memory_space<vmem>> -> memref<120xi32, #tpu.memory_space<vmem>>
          %dma_start3A_198 = arith.constant 0 : i32
          %dma_start3A_199 = arith.constant 0 : i32
          %dma_start3A_200 = tpu.memref_slice %arg17[%dma_start3A_198, %dma_start3A_199] : memref<10008x128xf32, #tpu.memory_space<vmem_shared>> -> memref<10008x128xf32, #tpu.memory_space<vmem_shared>>
          tpu.enqueue_indirect_dma source(%arg11 : memref<120x128xf32, #tpu.memory_space<vmem>>) target(%dma_start3A_200 : memref<10008x128xf32, #tpu.memory_space<vmem_shared>>) offsets(%dma_start3A_197 : memref<120xi32, #tpu.memory_space<vmem>>) semaphore(%run_scoped3A_194 : memref<!tpu.dma_semaphore, #tpu.memory_space<semaphore_mem>>) {add = true}
          %dma_wait3A_201 = arith.constant 0 : i32
          %dma_wait3A_202 = tpu.memref_slice %arg8[%run_scoped3A_183, %dma_wait3A_201] : memref<6x120xi32, #tpu.memory_space<vmem>> -> memref<1x120xi32, #tpu.memory_space<vmem>>
          %dma_wait3A_203 = tpu.memref_squeeze %dma_wait3A_202 : memref<1x120xi32, #tpu.memory_space<vmem>> -> memref<120xi32, #tpu.memory_space<vmem>>
          %dma_wait3A_204 = arith.constant 0 : i32
          %dma_wait3A_205 = arith.constant 0 : i32
          %dma_wait3A_206 = tpu.memref_slice %arg17[%dma_wait3A_204, %dma_wait3A_205] : memref<10008x128xf32, #tpu.memory_space<vmem_shared>> -> memref<10008x128xf32, #tpu.memory_space<vmem_shared>>
          tpu.wait_indirect_dma semaphore(%run_scoped3A_194 : memref<!tpu.dma_semaphore, #tpu.memory_space<semaphore_mem>>) src(%arg11 : memref<120x128xf32, #tpu.memory_space<vmem>>) dst(%dma_wait3A_206 : memref<10008x128xf32, #tpu.memory_space<vmem_shared>>)
          tpu.yield
        }) : () -> ()
        %convert_element_type3A_184 = arith.extui %lt3A_118 : i1 to i32
        %cond3A_185 = arith.constant 0 : i32
        %cond3A_186 = arith.cmpi ne, %convert_element_type3A_184, %cond3A_185 : i32
        scf.if %cond3A_186 {
          %dma_start3A_194 = arith.constant 1 : i32
          %dma_start3A_195 = arith.constant 0 : i32
          %dma_start3A_196 = tpu.memref_slice %arg7[%dma_start3A_194, %dma_start3A_195] : memref<6x120xi32, #tpu.memory_space<vmem>> -> memref<1x120xi32, #tpu.memory_space<vmem>>
          %dma_start3A_197 = tpu.memref_squeeze %dma_start3A_196 : memref<1x120xi32, #tpu.memory_space<vmem>> -> memref<120xi32, #tpu.memory_space<vmem>>
          %dma_start3A_198 = arith.constant 0 : i32
          %dma_start3A_199 = arith.constant 0 : i32
          %dma_start3A_200 = tpu.memref_slice %arg2[%dma_start3A_198, %dma_start3A_199] : memref<10000x128xf32, #tpu.memory_space<hbm>> -> memref<10000x128xf32, #tpu.memory_space<hbm>>
          tpu.enqueue_indirect_dma source(%dma_start3A_200 : memref<10000x128xf32, #tpu.memory_space<hbm>>) target(%arg11 : memref<120x128xf32, #tpu.memory_space<vmem>>) offsets(%dma_start3A_197 : memref<120xi32, #tpu.memory_space<vmem>>) semaphore(%arg14 : memref<!tpu.dma_semaphore, #tpu.memory_space<semaphore_mem>>)
        } else {
        }
        %dma_wait3A_187 = arith.constant 0 : i32
        %dma_wait3A_188 = arith.constant 0 : i32
        %dma_wait3A_189 = tpu.memref_slice %arg2[%dma_wait3A_187, %dma_wait3A_188] : memref<10000x128xf32, #tpu.memory_space<hbm>> -> memref<120x128xf32, #tpu.memory_space<hbm>>
        %dma_wait3A_190 = arith.constant 0 : i32
        %dma_wait3A_191 = arith.constant 0 : i32
        %dma_wait3A_192 = tpu.memref_slice %arg2[%dma_wait3A_190, %dma_wait3A_191] : memref<10000x128xf32, #tpu.memory_space<hbm>> -> memref<120x128xf32, #tpu.memory_space<hbm>>
        tpu.wait_dma2 semaphore(%arg15 : memref<!tpu.dma_semaphore, #tpu.memory_space<semaphore_mem>>) src(%dma_wait3A_192 : memref<120x128xf32, #tpu.memory_space<hbm>>) dst(%arg12 : memref<120x128xf32, #tpu.memory_space<vmem>>)
        %run_scoped3A_193 = arith.constant 5 : i32
        "tpu.region"() ({
          %run_scoped3A_194 = tpu.sem_alloc : memref<!tpu.dma_semaphore, #tpu.memory_space<semaphore_mem>>
          %dma_start3A_195 = arith.constant 0 : i32
          %dma_start3A_196 = tpu.memref_slice %arg8[%run_scoped3A_193, %dma_start3A_195] : memref<6x120xi32, #tpu.memory_space<vmem>> -> memref<1x120xi32, #tpu.memory_space<vmem>>
          %dma_start3A_197 = tpu.memref_squeeze %dma_start3A_196 : memref<1x120xi32, #tpu.memory_space<vmem>> -> memref<120xi32, #tpu.memory_space<vmem>>
          %dma_start3A_198 = arith.constant 0 : i32
          %dma_start3A_199 = arith.constant 0 : i32
          %dma_start3A_200 = tpu.memref_slice %arg17[%dma_start3A_198, %dma_start3A_199] : memref<10008x128xf32, #tpu.memory_space<vmem_shared>> -> memref<10008x128xf32, #tpu.memory_space<vmem_shared>>
          tpu.enqueue_indirect_dma source(%arg12 : memref<120x128xf32, #tpu.memory_space<vmem>>) target(%dma_start3A_200 : memref<10008x128xf32, #tpu.memory_space<vmem_shared>>) offsets(%dma_start3A_197 : memref<120xi32, #tpu.memory_space<vmem>>) semaphore(%run_scoped3A_194 : memref<!tpu.dma_semaphore, #tpu.memory_space<semaphore_mem>>) {add = true}
          %dma_wait3A_201 = arith.constant 0 : i32
          %dma_wait3A_202 = tpu.memref_slice %arg8[%run_scoped3A_193, %dma_wait3A_201] : memref<6x120xi32, #tpu.memory_space<vmem>> -> memref<1x120xi32, #tpu.memory_space<vmem>>
          %dma_wait3A_203 = tpu.memref_squeeze %dma_wait3A_202 : memref<1x120xi32, #tpu.memory_space<vmem>> -> memref<120xi32, #tpu.memory_space<vmem>>
          %dma_wait3A_204 = arith.constant 0 : i32
          %dma_wait3A_205 = arith.constant 0 : i32
          %dma_wait3A_206 = tpu.memref_slice %arg17[%dma_wait3A_204, %dma_wait3A_205] : memref<10008x128xf32, #tpu.memory_space<vmem_shared>> -> memref<10008x128xf32, #tpu.memory_space<vmem_shared>>
          tpu.wait_indirect_dma semaphore(%run_scoped3A_194 : memref<!tpu.dma_semaphore, #tpu.memory_space<semaphore_mem>>) src(%arg12 : memref<120x128xf32, #tpu.memory_space<vmem>>) dst(%dma_wait3A_206 : memref<10008x128xf32, #tpu.memory_space<vmem_shared>>)
          tpu.yield
        }) : () -> ()
      } else {
      }
    }
    %scan3A_59 = arith.constant 28 : i32
    %barrier3A_60 = arith.constant 0 : index
    tpu.barrier barrier_id(%barrier3A_60)
    %lt3A_61 = arith.constant 15 : i32
    %lt3A_62 = arith.cmpi slt, %arg1, %lt3A_61 : i32
    %convert_element_type3A_63 = arith.extui %lt3A_62 : i1 to i32
    %cond3A_64 = arith.constant 0 : i32
    %cond3A_65 = arith.cmpi ne, %convert_element_type3A_63, %cond3A_64 : i32
    scf.if %cond3A_65 {
      "tpu.region"() ({
        %run_scoped3A = tpu.sem_alloc : memref<!tpu.dma_semaphore, #tpu.memory_space<semaphore_mem>>
        %dma_start3A_71 = arith.constant 0 : i32
        %dma_start3A_72 = tpu.memref_slice %arg5[%arg0, %multiple_of3A, %dma_start3A_71] : memref<2x10000x128xf32, #tpu.memory_space<hbm>> -> memref<1x624x128xf32, #tpu.memory_space<hbm>>
        %dma_start3A_73 = tpu.memref_squeeze %dma_start3A_72 : memref<1x624x128xf32, #tpu.memory_space<hbm>> -> memref<624x128xf32, #tpu.memory_space<hbm>>
        %dma_start3A_74 = arith.constant 0 : i32
        %dma_start3A_75 = tpu.memref_slice %arg17[%multiple_of3A, %dma_start3A_74] : memref<10008x128xf32, #tpu.memory_space<vmem_shared>> -> memref<624x128xf32, #tpu.memory_space<vmem_shared>>
        tpu.enqueue_dma source(%dma_start3A_75 : memref<624x128xf32, #tpu.memory_space<vmem_shared>>) target(%dma_start3A_73 : memref<624x128xf32, #tpu.memory_space<hbm>>) target_semaphore(%run_scoped3A : memref<!tpu.dma_semaphore, #tpu.memory_space<semaphore_mem>>)
        %dma_wait3A_76 = arith.constant 0 : i32
        %dma_wait3A_77 = tpu.memref_slice %arg5[%arg0, %multiple_of3A, %dma_wait3A_76] : memref<2x10000x128xf32, #tpu.memory_space<hbm>> -> memref<1x624x128xf32, #tpu.memory_space<hbm>>
        %dma_wait3A_78 = tpu.memref_squeeze %dma_wait3A_77 : memref<1x624x128xf32, #tpu.memory_space<hbm>> -> memref<624x128xf32, #tpu.memory_space<hbm>>
        %dma_wait3A_79 = arith.constant 0 : i32
        %dma_wait3A_80 = tpu.memref_slice %arg17[%multiple_of3A, %dma_wait3A_79] : memref<10008x128xf32, #tpu.memory_space<vmem_shared>> -> memref<624x128xf32, #tpu.memory_space<vmem_shared>>
        tpu.wait_dma2 semaphore(%run_scoped3A : memref<!tpu.dma_semaphore, #tpu.memory_space<semaphore_mem>>) src(%dma_wait3A_80 : memref<624x128xf32, #tpu.memory_space<vmem_shared>>) dst(%dma_wait3A_78 : memref<624x128xf32, #tpu.memory_space<hbm>>)
        tpu.yield
      }) : () -> ()
    } else {
    }
    %eq3A_66 = arith.constant 15 : i32
    %eq3A_67 = arith.cmpi eq, %arg1, %eq3A_66 : i32
    %convert_element_type3A_68 = arith.extui %eq3A_67 : i1 to i32
    %cond3A_69 = arith.constant 0 : i32
    %cond3A_70 = arith.cmpi ne, %convert_element_type3A_68, %cond3A_69 : i32
    scf.if %cond3A_70 {
      "tpu.region"() ({
        %run_scoped3A = tpu.sem_alloc : memref<!tpu.dma_semaphore, #tpu.memory_space<semaphore_mem>>
        %dma_start3A_71 = arith.constant 0 : i32
        %dma_start3A_72 = tpu.memref_slice %arg5[%arg0, %multiple_of3A, %dma_start3A_71] : memref<2x10000x128xf32, #tpu.memory_space<hbm>> -> memref<1x640x128xf32, #tpu.memory_space<hbm>>
        %dma_start3A_73 = tpu.memref_squeeze %dma_start3A_72 : memref<1x640x128xf32, #tpu.memory_space<hbm>> -> memref<640x128xf32, #tpu.memory_space<hbm>>
        %dma_start3A_74 = arith.constant 0 : i32
        %dma_start3A_75 = tpu.memref_slice %arg17[%multiple_of3A, %dma_start3A_74] : memref<10008x128xf32, #tpu.memory_space<vmem_shared>> -> memref<640x128xf32, #tpu.memory_space<vmem_shared>>
        tpu.enqueue_dma source(%dma_start3A_75 : memref<640x128xf32, #tpu.memory_space<vmem_shared>>) target(%dma_start3A_73 : memref<640x128xf32, #tpu.memory_space<hbm>>) target_semaphore(%run_scoped3A : memref<!tpu.dma_semaphore, #tpu.memory_space<semaphore_mem>>)
        %dma_wait3A_76 = arith.constant 0 : i32
        %dma_wait3A_77 = tpu.memref_slice %arg5[%arg0, %multiple_of3A, %dma_wait3A_76] : memref<2x10000x128xf32, #tpu.memory_space<hbm>> -> memref<1x640x128xf32, #tpu.memory_space<hbm>>
        %dma_wait3A_78 = tpu.memref_squeeze %dma_wait3A_77 : memref<1x640x128xf32, #tpu.memory_space<hbm>> -> memref<640x128xf32, #tpu.memory_space<hbm>>
        %dma_wait3A_79 = arith.constant 0 : i32
        %dma_wait3A_80 = tpu.memref_slice %arg17[%multiple_of3A, %dma_wait3A_79] : memref<10008x128xf32, #tpu.memory_space<vmem_shared>> -> memref<640x128xf32, #tpu.memory_space<vmem_shared>>
        tpu.wait_dma2 semaphore(%run_scoped3A : memref<!tpu.dma_semaphore, #tpu.memory_space<semaphore_mem>>) src(%dma_wait3A_80 : memref<640x128xf32, #tpu.memory_space<vmem_shared>>) dst(%dma_wait3A_78 : memref<640x128xf32, #tpu.memory_space<hbm>>)
        tpu.yield
      }) : () -> ()
    } else {
    }
    return
  }
}

module attributes {stable_mosaic.version = 14 : i64} {
  func.func @_dense_body(%arg0: memref<2x10000x128xf32, #tpu.memory_space<vmem>>, %arg1: memref<10000x128xf32, #tpu.memory_space<vmem>>, %arg2: memref<10000x1xf32, #tpu.memory_space<vmem>>, %arg3: memref<10000x1xf32, #tpu.memory_space<vmem>>, %arg4: memref<128x128xf32, #tpu.memory_space<vmem>>, %arg5: memref<10000x128xf32, #tpu.memory_space<vmem>>) attributes {dimension_semantics = [], scalar_prefetch = 0 : i64, scratch_operands = 0 : i64, tpu.core_type = #tpu.core_type<tc>} {
    %get3A = arith.constant 0 : index
    %get3A_0 = arith.constant 0 : index
    %get3A_1 = arith.constant 0 : index
    %get3A_2 = vector.load %arg0[%get3A, %get3A_0, %get3A_1] : memref<2x10000x128xf32, #tpu.memory_space<vmem>>, vector<1x10000x128xf32>
    %get3A_3 = vector.shape_cast %get3A_2 : vector<1x10000x128xf32> to vector<10000x128xf32>
    %get3A_4 = arith.constant 1 : index
    %get3A_5 = arith.constant 0 : index
    %get3A_6 = arith.constant 0 : index
    %get3A_7 = vector.load %arg0[%get3A_4, %get3A_5, %get3A_6] : memref<2x10000x128xf32, #tpu.memory_space<vmem>>, vector<1x10000x128xf32>
    %get3A_8 = vector.shape_cast %get3A_7 : vector<1x10000x128xf32> to vector<10000x128xf32>
    %add3A = arith.addf %get3A_3, %get3A_8 : vector<10000x128xf32>
    %get3A_9 = arith.constant 0 : index
    %get3A_10 = arith.constant 0 : index
    %get3A_11 = vector.load %arg3[%get3A_9, %get3A_10] : memref<10000x1xf32, #tpu.memory_space<vmem>>, vector<10000x1xf32>
    %mul3A = vector.broadcast %get3A_11 : vector<10000x1xf32> to vector<10000x128xf32>
    %mul3A_12 = arith.mulf %add3A, %mul3A : vector<10000x128xf32>
    %get3A_13 = arith.constant 0 : index
    %get3A_14 = arith.constant 0 : index
    %get3A_15 = vector.load %arg1[%get3A_13, %get3A_14] : memref<10000x128xf32, #tpu.memory_space<vmem>>, vector<10000x128xf32>
    %get3A_16 = arith.constant 0 : index
    %get3A_17 = arith.constant 0 : index
    %get3A_18 = vector.load %arg2[%get3A_16, %get3A_17] : memref<10000x1xf32, #tpu.memory_space<vmem>>, vector<10000x1xf32>
    %mul3A_19 = vector.broadcast %get3A_18 : vector<10000x1xf32> to vector<10000x128xf32>
    %mul3A_20 = arith.mulf %get3A_15, %mul3A_19 : vector<10000x128xf32>
    %add3A_21 = arith.addf %mul3A_12, %mul3A_20 : vector<10000x128xf32>
    %get3A_22 = arith.constant 0 : index
    %get3A_23 = arith.constant 0 : index
    %get3A_24 = vector.load %arg4[%get3A_22, %get3A_23] : memref<128x128xf32, #tpu.memory_space<vmem>>, vector<128x128xf32>
    %transpose3A = tpu.transpose %get3A_24, [1, 0] : vector<128x128xf32> -> vector<128x128xf32>
    %dot_general3A = arith.constant dense<0.000000e+00> : vector<10000x128xf32>
    %dot_general3A_25 = tpu.matmul %add3A_21, %transpose3A, %dot_general3A {dimension_numbers = #tpu.dot_dimension_numbers<[1], [0], [0], [1], [0, 0, 1, 1], [], []>, transpose_lhs_hint = false} : vector<10000x128xf32>, vector<128x128xf32>, vector<10000x128xf32> -> vector<10000x128xf32>
    %max3A = arith.constant 0.000000e+00 : f32
    %max3A_26 = vector.broadcast %max3A : f32 to vector<10000x128xf32>
    %max3A_27 = arith.maximumf %dot_general3A_25, %max3A_26 : vector<10000x128xf32>
    %swap3A = arith.constant 0 : index
    %swap3A_28 = arith.constant 0 : index
    %swap3A_29 = vector.load %arg5[%swap3A, %swap3A_28] : memref<10000x128xf32, #tpu.memory_space<vmem>>, vector<10000x128xf32>
    tpu.vector_store %arg5[%swap3A, %swap3A_28], %max3A_27 {strides = array<i32>} : memref<10000x128xf32, #tpu.memory_space<vmem>>, vector<10000x128xf32>,
    return
  }
}

</mosaic_0001>

<sc_bundles>
// kernel: kernel.4.cloned.1.call-start
scs
__scs_entry_jumppad:
0x0: {  	(pc) =	sbr.rel $0x88, $3  }
0x1: {  	(tag) =	ssettag $0x0;
	lr =	simm.s32 $0x1  }
0x2: {  	[smem:$0x3F9C] =	sst lr;
	_ =	strace $0xD0000000  }
0x3: {  	_ = 	snop  }
0x4: {  	_ = 	snop  }
0x5: {  	_ = 	snop  }
0x6: {  	_ = 	snop  }
0x7: {  	_ = 	snop  }
__scs_overlays_trampoline_lowered:
0x8: {  	[smem:$0x3FAB] =	sst s0  }
0x9: {  	[smem:$0x3FAC] =	sst s1  }
0xa: {  	[smem:$0x3FAD] =	sst s2  }
0xb: {  	[smem:$0x3FAE] =	sst s3  }
0xc: {  	[smem:$0x3FAF] =	sst s4  }
0xd: {  	[smem:$0x3FB0] =	sst s5  }
0xe: {  	[smem:$0x3FB1] =	sst s6  }
0xf: {  	[smem:$0x3FB2] =	sst s7  }
0x10: {  	[smem:$0x3FB3] =	sst s8  }
0x11: {  	[smem:$0x3FB4] =	sst s9;
	s0 =	simm.s32 @!p0 $0x0  }
0x12: {  	s1 =	sld [smem:$0x3F9A];
	s0 =	simm.s32 @p0 $0x1  }
0x13: {  	[smem:$0x3FB5] =	sst s0;
	s0 =	simm.s32 @!p1 $0x0  }
0x14: {  	s2 =	sld [smem:$0x3F99];
	s0 =	simm.s32 @p1 $0x1  }
0x15: {  	[smem:$0x3FB6] =	sst s0;
	s0 =	simm.s32 @!p2 $0x0  }
0x16: {  	s3 =	sld [smem:$0x3FDB];
	s0 =	simm.s32 @p2 $0x1  }
0x17: {  	s4 =	simm.s32 $0x1BF5;
	[smem:$0x3FB8] =	sst s0  }
0x18: {  	s0 =	sld [smem:$0x3F9B];
	_ =	swait.ge [sflag:s4], $0x0  }
0x19: {  	s7 =	sld [smem:$0x3F9C]  }
0x1a: {  	s8 =	sadd.s32 $0xFFFFE003, lr  }
0x1b: {  	s9 =	sadd.s32 $0xFFFFFEF7, lr;
	s5 =	simm.s32 $0xFFFFFFFF;
	p2 =	slt.u32 s8, $0xFFFFF086  }
0x1c: {  	p1 =	slt.u32 s9, $0xF7A;
	s5 =	simm.s32 @!p2 $0x0  }
0x1d: {  	s5 =	simm.s32 @p1 $0x1;
	p0 =	seq.s32 s7, s2  }
0x1e: {  	s7 =	smul.u32 @!p0 $0xF7A, s2;
	p2 =	seq.s32 @!p0 s5, $0x0  }
0x1f: {  	s9 =	smul.u32 $0xF7A, s1;
	s8 =	simm.s32 @!p0 $0x1BF5;
	p2 =	por !p2, p0  }
0x20: {  	[sflag:s8] =	ssyncset.s32 @!p0 $0xFFFFF086;
	s6 =	sadd.s32 @!p0 s3, s7;
	s7 =	simm.s32 @!p0 $0x108  }
0x21: {  	s3 =	sadd.s32 s3, s9;
	s6 =	sadd.s32 @!p0 $0x88, s6;
	s7 =	simm.s32 @p2 $0x1082  }
0x22: {  	[simem:s7], [sflag:s8] =	dma.local @!p0 [hbm:s6], $0xF7A  }
0x23: {  	s9 =	sor.u32 $0xD0000000, s2;
	s6 =	simm.s32 $0x108;
	_ =	swait.ge @!p0 [sflag:s8], $0x0  }
0x24: {  	s3 =	sadd.s32 $0x88, s3;
	s6 =	simm.s32 @!p1 $0x1082;
	[sflag:s4] =	ssyncset.s32 $0xFFFFF086  }
0x25: {  	[simem:s6], [sflag:s4] =	dma.local [hbm:s3], $0xF7A  }
0x26: {  	[smem:$0x3F9C] =	sst s1;
	(tag) =	ssettag s2;
	_ =	strace s9  }
0x27: {  	s1 =	sld [smem:$0x3FAC]  }
0x28: {  	s2 =	sld [smem:$0x3FAD]  }
0x29: {  	s4 =	sld [smem:$0x3FAF]  }
0x2a: {  	p0 =	seq.s32 s5, $0x0;
	s5 =	sld [smem:$0x3FB0]  }
0x2b: {  	s6 =	sld [smem:$0x3FB1]  }
0x2c: {  	s7 =	sld [smem:$0x3FB2]  }
0x2d: {  	s3 =	simm.s32 $0x108;
	s8 =	sld [smem:$0x3FB3]  }
0x2e: {  	s3 =	simm.s32 @!p0 $0x1082;
	s9 =	sld [smem:$0x3FB4]  }
0x2f: {  	lr =	sadd.s32 s0, s3;
	s0 =	sld [smem:$0x3FAB]  }
0x30: {  	s3 =	sld [smem:$0x3FAE]  }
0x31: {  	[smem:$0x3FB7] =	sst s10  }
0x32: {  	s10 =	sld [smem:$0x3FB5];
	_ =	sdelay $0x3  }
0x33: {  	p0 =	seq.s32 s10, $0x1;
	s10 =	sld [smem:$0x3FB7];
	_ =	sdelay $0x3  }
0x34: {  	[smem:$0x3FB7] =	sst s10  }
0x35: {  	s10 =	sld [smem:$0x3FB6];
	_ =	sdelay $0x3  }
0x36: {  	p1 =	seq.s32 s10, $0x1;
	s10 =	sld [smem:$0x3FB7];
	_ =	sdelay $0x3  }
0x37: {  	[smem:$0x3FB7] =	sst s10  }
0x38: {  	s10 =	sld [smem:$0x3FB8]  }
0x39: {  	_ = 	snop;
	(pc) =	sbr.ind lr, $3  }
0x3a: {  	_ = 	snop  }
0x3b: {  	_ = 	snop  }
0x3c: {  	p2 =	seq.s32 s10, $0x1;
	s10 =	sld [smem:$0x3FB7]  }
0x3d: {  	_ =	shalt  }
0x3e: {  	_ =	shalt  }
0x3f: {  	_ =	shalt  }
0x40: {  	_ =	shalt  }
0x41: {  	_ =	shalt  }
0x42: {  	_ =	shalt  }
0x43: {  	_ =	shalt  }
0x44: {  	_ =	shalt  }
0x45: {  	_ =	shalt  }
0x46: {  	_ =	shalt  }
0x47: {  	_ =	shalt  }
0x48: {  	_ =	shalt  }
0x49: {  	_ =	shalt  }
0x4a: {  	_ =	shalt  }
0x4b: {  	_ =	shalt  }
0x4c: {  	_ =	shalt  }
0x4d: {  	_ =	shalt  }
0x4e: {  	_ =	shalt  }
0x4f: {  	_ =	shalt  }
0x50: {  	_ =	shalt  }
0x51: {  	_ =	shalt  }
0x52: {  	_ =	shalt  }
0x53: {  	_ =	shalt  }
0x54: {  	_ =	shalt  }
0x55: {  	_ =	shalt  }
0x56: {  	_ =	shalt  }
0x57: {  	_ =	shalt  }
0x58: {  	_ =	shalt  }
0x59: {  	_ =	shalt  }
0x5a: {  	_ =	shalt  }
0x5b: {  	_ =	shalt  }
0x5c: {  	_ =	shalt  }
0x5d: {  	_ =	shalt  }
0x5e: {  	_ =	shalt  }
0x5f: {  	_ =	shalt  }
0x60: {  	_ =	shalt  }
0x61: {  	_ =	shalt  }
0x62: {  	_ =	shalt  }
0x63: {  	_ =	shalt  }
0x64: {  	_ =	shalt  }
0x65: {  	_ =	shalt  }
0x66: {  	_ =	shalt  }
0x67: {  	_ =	shalt  }
0x68: {  	_ =	shalt  }
0x69: {  	_ =	shalt  }
0x6a: {  	_ =	shalt  }
0x6b: {  	_ =	shalt  }
0x6c: {  	_ =	shalt  }
0x6d: {  	_ =	shalt  }
0x6e: {  	_ =	shalt  }
0x6f: {  	_ =	shalt  }
0x70: {  	_ =	shalt  }
0x71: {  	_ =	shalt  }
0x72: {  	_ =	shalt  }
0x73: {  	_ =	shalt  }
0x74: {  	_ =	shalt  }
0x75: {  	_ =	shalt  }
0x76: {  	_ =	shalt  }
0x77: {  	_ =	shalt  }
0x78: {  	_ =	shalt  }
0x79: {  	_ =	shalt  }
0x7a: {  	_ =	shalt  }
0x7b: {  	_ =	shalt  }
0x7c: {  	_ =	shalt  }
0x7d: {  	_ =	shalt  }
0x7e: {  	_ =	shalt  }
0x7f: {  	_ =	shalt  }
0x80: {  	_ =	shalt  }
0x81: {  	_ =	shalt  }
0x82: {  	_ =	shalt  }
0x83: {  	_ =	shalt  }
0x84: {  	_ =	shalt  }
0x85: {  	_ =	shalt  }
0x86: {  	_ =	shalt  }
0x87: {  	_ =	shalt  }
.Lfunc_end0:
.L_simem_size_0:
called_computation_lowered:
.L_overlay_start_0:
0x88: {  	s2 =	sld [smem:$0x3FD9]  }
0x89: {  	s3 =	sld [smem:$0x3FFE];
	_ =	sdelay $0x1  }
0x8a: {  	s1 =	srdreg.scid  }
0x8b: {  	s0 =	sand.u32 $0x1, s1  }
0x8c: {  	s17 =	sshll.u32 s0, $0xA;
	s2 =	sadd.s32 s3, s2  }
0x8d: {  	s2 =	sadd.s32 s2, s17  }
0x8e: {  	[smem:$0x3FC3] =	sst s2  }
0x8f: {  	_ = 	snop  }
0x90: {  	s2 =	sld [smem:$0x3FC9]  }
0x91: {  	s18 =	sld [smem:$0x3FD0];
	(tm) =	ssettm $0x1  }
0x92: {  	s4 =	sld [smem:$0x3FFB];
	_ =	sdelay $0x3  }
0x93: {  	_ =	strace s4  }
0x94: {  	s4 =	sld [smem:$0x3FFC];
	_ =	sdelay $0x3  }
0x95: {  	_ =	strace s4  }
0x96: {  	s4 =	sld [smem:$0x3FFD];
	_ =	sdelay $0x3  }
0x97: {  	_ =	strace s4  }
0x98: {  	_ =	strace $0x8FFFFFFF  }
0x99: {  	s19 =	sld [smem:$0x3FDB];
	_ =	sdelay $0x1  }
0x9a: {  	s5 =	simm.s32 $_scs_section_size  }
0x9b: {  	s6 =	simm.s32 $_size__tile_overlayer_lowered;
	s7 =	simm.s32 $_tile_overlayer_lowered  }
0x9c: {  	s22 =	simm.s32 $0x1BFF;
	s21 =	sshll.u32 s7, $0x1;
	s4 =	sadd.s32 s5, s19  }
0x9d: {  	s8 =	simm.s32 $0x0;
	s20 =	sshll.u32 s6, $0x1;
	s6 =	sadd.s32 s21, s4  }
0x9e: {  	[timem:s8], [sflag:s22] =	dma.local [hbm:s6], s20  }
0x9f: {  	_ =	swait.ge [sflag:s22], s20  }
0xa0: {  	s5 =	ssub.s32 $0x0, s20;
	[sflag:s22] =	ssyncset.done $0x0  }
0xa1: {  	[sflag:s22] =	ssyncadd.s32 s5;
	_ =	sdelay $0x1  }
0xa2: {  	s23 =	simm.s32 $0x1B8B  }
0xa3: {  	_ =	swait.ge [sflag:s23], $0x1  }
0xa4: {  	[sflag:s23] =	ssyncset.done $0x0  }
0xa5: {  	s25 =	simm.s32 $0x1B8E;
	s24 =	sld [smem:$0x3FFE];
	[sflag:s23] =	ssyncadd.s32 $0xFFFFFFFF  }
0xa6: {  	s26 =	simm.s32 $execute0_lowered;
	[smem:$0x3FD2] =	sst s25  }
0xa7: {  	s6 =	sshll.u32 s26, $0x1;
	_ =	strace $0x80000046;
	[dreg:$0x1] =	wrdreg $0xFFFFFFFF  }
0xa8: {  	s28 =	simm.s32 $_size_execute0_lowered;
	s4 =	sadd.s32 s4, s6;
	[dreg:$0x0] =	wrdreg $0x0  }
0xa9: {  	s6 =	sshll.u32 s28, $0x1;
	[dreg:$0x2] =	wrdreg s4  }
0xaa: {  	[dreg:$0x3] =	wrdreg s6  }
0xab: {  	[dreg:$0x4] =	wrdreg $0xC0  }
0xac: {  	_ =	task [dreg:s8], $0x5FFFF  }
0xad: {  	[dreg:$0x1] =	wrdreg $0xFFFFFFFF  }
0xae: {  	[dreg:$0x0] =	wrdreg $0x60  }
0xaf: {  	[dreg:$0x2] =	wrdreg s2  }
0xb0: {  	[dreg:$0x3] =	wrdreg s24  }
0xb1: {  	[dreg:$0x4] =	wrdreg s18  }
0xb2: {  	[dreg:$0x5] =	wrdreg $0xBF400  }
0xb3: {  	[dreg:$0x6] =	wrdreg $0x9  }
0xb4: {  	_ =	task.clear_ibuf [dreg:s8], $0x7FFFF;
	_ =	strace $0x90000046  }
0xb5: {  	s29 =	simm.s32 $0x9;
	_ =	strace $0x80000048  }
0xb6: {  	_ =	swait.ge [sflag:s29], $0x1  }
0xb7: {  	[sflag:s29] =	ssyncadd.s32 $0xFFFFFFFF  }
0xb8: {  	_ =	strace $0x90000048  }
0xb9: {  	_ =	sfence  }
0xba: {  	s30 =	sld [smem:$0x0];
	_ =	sdelay $0x2  }
0xbb: {  	s31 =	sshll.u32 s1, $0xD;
	s1 =	sshrl.u32 s1, $0x2  }
0xbc: {  	s3 =	sand.u32 $0x4000, s31;
	s1 =	sadd.s32 s1, s30  }
0xbd: {  	s0 =	sor.u32 s3, s0;
	s1 =	sshll.u32 s1, $0x11  }
0xbe: {  	s0 =	sor.u32 s1, s0  }
0xbf: {  	s0 =	sadd.s32 $0x8F2B, s0  }
0xc0: {  	[sflag:s0] =	ssyncadd.remote.s32 $0x1  }
0xc1: {  	_ =	sfence.sel $0xFFFF  }
0xc2: {  	[dreg:$0x0] =	wrdreg $0xFFFFFFFF;
	(pc) =	sbr.abs _section_cstart, $3  }
0xc3: {  	[dreg:$0x1] =	wrdreg $0xFFFFFFFF  }
0xc4: {  	_ =	task.clear_ibuf [dreg:s8], $0x2FFFF;
	_ =	strace $0x9FFFFFFF  }
0xc5: {  	(tm) =	ssettm $0x7FFFFFFF  }
tec
execute0_lowered:
.L_overlay_start_1:
0x0: {  	(tag) =	ssettag $0x1  }
0x1: {  	s2 =	rddreg [dreg:$0x0]  }
0x2: {  	s0 =	rddreg [dreg:$0x1]  }
0x3: {  	s3 =	rddreg [dreg:$0x2]  }
0x4: {  	s4 =	rddreg [dreg:$0x3];
	s12 =	stileid.u32  }
0x5: {  	s5 =	simm.s32 $0x0;
	s7 =	srdreg.scid;
	s28 =	simm.s32 $0x4  }
0x6: {  	s29 =	simm.s32 $0x78;
	s30 =	simm.s32 $0xB40;
	s31 =	simm.s32 $0x870  }
0x7: {  	s1 =	smul.u32 $0x4E000, s12;
	[smem:$0x7FF] =	sst s5;
	s6 =	sadd.s32 $0xC00, s0  }
0x8: {  	s7 =	sand.u32 $0x1, s7;
	s0 =	sadd.s32 $0x14800, s0;
	s19 =	sadd.s32 $0x124800, s4  }
0x9: {  	s13 =	smul.u32 $0x4EC0, s12;
	s11 =	sadd.s32 $0x128400, s4;
	s15 =	sadd.s32 $0x12C000, s4  }
0xa: {  	s16 =	smul.u32 $0x13800, s12;
	_ =	strace $0x80000047;
	[dreg:$0xc] =	wrdreg s11  }
0xb: {  	s17 =	sadd.s32 $0x12FC00, s4;
	s18 =	sadd.s32 $0x133800, s4;
	[dreg:$0xd] =	wrdreg s15  }
0xc: {  	s20 =	sadd.s32 $0x137400, s4;
	p0 =	seq.s32 s12, $0xF;
	[dreg:$0xe] =	wrdreg s17  }
0xd: {  	s12 =	simm.s32 $0x7F8;
	s26 =	smul.u32 $0x4EC00, s7;
	[dreg:$0xf] =	wrdreg s18  }
0xe: {  	s23 =	ssub.s32 $0x2, s7;
	s7 =	smul.u32 $0x138800, s7;
	[dreg:$0x10] =	wrdreg s20  }
0xf: {  	s11 =	simm.s32 $0x6;
	s15 =	simm.s32 $0x5;
	s1 =	sshrl.u32 s1, $0x2  }
0x10: {  	s20 =	simm.s32 $0x0;
	[dreg:$0xb] =	wrdreg s19;
	s9 =	sadd.s32 s1, s4  }
0x11: {  	s14 =	sshrl.u32 s23, $0x1;
	s8 =	sadd.s32 $0x3C00, s9;
	[dreg:$0x5] =	wrdreg s9  }
0x12: {  	s1 =	ssub.s32 s23, s14;
	s24 =	sadd.s32 $0x7800, s9;
	[dreg:$0x6] =	wrdreg s8  }
0x13: {  	s21 =	sadd.s32 s16, s7;
	s25 =	sadd.s32 $0xB400, s9;
	[dreg:$0x7] =	wrdreg s24  }
0x14: {  	s7 =	sshrl.u32 s7, $0x3;
	s10 =	sadd.s32 $0xF000, s9;
	[dreg:$0x8] =	wrdreg s25  }
0x15: {  	s14 =	simm.s32 $0x2;
	s9 =	sadd.s32 $0x12C00, s9;
	[dreg:$0x9] =	wrdreg s10  }
0x16: {  	[dreg:$0xa] =	wrdreg s9;
	s8 =	sadd.s32 s13, s26;
	s9 =	sshrl.u32 s21, $0x3  }
0x17: {  	s25 =	smax.u32 s1, $0x1;
	s1 =	simm.s32 $0x5A0;
	s10 =	simm.s32 $0x1  }
0x18: {  	s13 =	simm.s32 $0xAC8;
	s22 =	sshrl.u32 s8, $0x3;
	s9 =	sadd.s32 s0, s9  }
0x19: {  	s0 =	sadd.s32 s0, s7;
	s7 =	sadd.s32 s16, s4;
	[dreg:$0x15] =	wrdreg s25  }
0x1a: {  	s26 =	sadd.s32 $0x2D0, s8;
	s16 =	simm.s32 $0x3;
	[dreg:$0x11] =	wrdreg s9  }
0x1b: {  	s25 =	simm.s32 $0x618;
	s23 =	sadd.s32 s6, s22;
	[dreg:$0x16] =	wrdreg s26  }
.Ltmp0:
0x1c: {  	s24 =	sadd.s32 s3, s22;
	[dreg:$0x12] =	wrdreg s23;
	(pc) =	sbr.rel .LBB2_1-.Ltmp0, $4  }
0x1d: {  	s8 =	simm.s32 $0x708;
	s0 =	sadd.s32 $0x24900, s0;
	[dreg:$0x13] =	wrdreg s24  }
0x1e: {  	s9 =	simm.s32 $0x8340;
	s22 =	simm.s32 $0x960;
	[dreg:$0x14] =	wrdreg s0  }
0x1f: {  	s0 =	sshrl.u32 @!p0 s7, $0x3;
	s23 =	simm.s32 $0x9D8;
	s24 =	simm.s32 $0xA50  }
0x20: {  	v0 =	vimm.f32 $0.0e+00;
	s7 =	simm.s32 $0x690;
	[dreg:$0x17] =	wrdreg s0;
	s0 =	simm.s32 $0x4740  }
.LBB2_8:
0x21: {  	[bflag:$0x0] =	sbarrier.arrive $0xFFFF  }
0x22: {  	s19 =	rddreg [dreg:$0xb]  }
0x23: {  	s18 =	simm.s32 @p0 $0x1FC5;
	s20 =	rddreg [dreg:$0x14];
	s17 =	sshrl.u32 @p0 s19, $0x3  }
0x24: {  	[hbm:s20], [sflag:s18] =	dma.local @p0 [spmem:s17], $0x2800  }
0x25: {  	s17 =	simm.s32 @p0 $0x5  }
0x26: {  	s18 =	stileid.u32;
	_ =	swait.ge @p0 [sflag:s17], $0x2800  }
0x27: {  	s18 =	sshll.u32 @!p0 s18, $0x6;
	[sflag:s17] =	ssyncset.done @p0 $0x0;
	s20 =	rddreg [dreg:$0x17]  }
0x28: {  	[sflag:s17] =	ssyncadd.s32 @p0 $0xFFFFD800;
	s17 =	sor.u32 @!p0 $0x1C05, s18;
	s18 =	rddreg [dreg:$0x11]  }
0x29: {  	[hbm:s18], [sflag:s17] =	dma.local @!p0 [spmem:s20], $0x2700  }
0x2a: {  	s17 =	simm.s32 @!p0 $0x5  }
0x2b: {  	_ =	swait.ge @!p0 [sflag:s17], $0x2700  }
0x2c: {  	s21 =	rddreg [dreg:$0x18]  }
0x2d: {  	s26 =	rddreg [dreg:$0x15];
	s20 =	sadd.s32 $0x1, s21  }
0x2e: {  	p1 =	sne.s32 s20, s26  }
.Ltmp1:
0x2f: {  	_ = 	snop;
	(pc) =	sbr.rel @!p1 .LBB2_9-.Ltmp1, $3  }
0x30: {  	_ =	sdelay $0x1  }
0x31: {  	[sflag:s17] =	ssyncset.done @!p0 $0x0  }
0x32: {  	[sflag:s17] =	ssyncadd.s32 @!p0 $0xFFFFD900  }
.LBB2_1:
0x33: {  	s17 =	simm.s32 $0x0;
	s18 =	simm.s32 $0x200  }
.LBB2_2:
0x34: {  	p1 =	sne.s32 s18, $0xEE00;
	[tilespmem:s17+$0xBB0] =	vst v0  }
0x35: {  	[tilespmem:s17+$0xB40] =	vst v0  }
0x36: {  	[tilespmem:s17+$0xB50] =	vst v0  }
.Ltmp2:
0x37: {  	[tilespmem:s17+$0xB60] =	vst v0;
	(pc) =	sbr.rel @p1 .LBB2_2-.Ltmp2, $4  }
0x38: {  	[tilespmem:s17+$0xB70] =	vst v0  }
0x39: {  	[tilespmem:s17+$0xB80] =	vst v0  }
0x3a: {  	[tilespmem:s17+$0xB90] =	vst v0  }
0x3b: {  	[tilespmem:s17+$0xBA0] =	vst v0;
	s17 =	sshra.s32 s18, $0x2;
	s18 =	sadd.s32 $0x200, s18  }
0x3c: {  	[tilespmem:s17+$0xBB0] =	vst v0  }
0x3d: {  	[tilespmem:s17+$0xB40] =	vst v0  }
0x3e: {  	[tilespmem:s17+$0xB50] =	vst v0  }
0x3f: {  	[tilespmem:s17+$0xB60] =	vst v0  }
0x40: {  	[tilespmem:s17+$0xB70] =	vst v0  }
0x41: {  	[tilespmem:s17+$0xB80] =	vst v0  }
0x42: {  	[tilespmem:s17+$0xB90] =	vst v0  }
0x43: {  	[dreg:$0x18] =	wrdreg s20;
	[tilespmem:s17+$0xBA0] =	vst v0;
	s17 =	simm.s32 @p0 $0xB40;
	s18 =	simm.s32 @p0 $0x5  }
0x44: {  	[spmem:s19] =	stream.linear.scatter @p0 [tilespmem:s17], [sflag:$0x5], $0x3C00, $0x38;
	[tilespmem:$0x1F800] =	vst v63  }
0x45: {  	_ =	swait.ge @p0 [sflag:s18], $0x3C00  }
0x46: {  	[sflag:s18] =	ssyncset.done @p0 $0x0  }
0x47: {  	s19 =	rddreg [dreg:$0xc];
	[sflag:s18] =	ssyncadd.s32 @p0 $0xFFFFC400  }
0x48: {  	[spmem:s19] =	stream.linear.scatter @p0 [tilespmem:s17], [sflag:$0x5], $0x3C00, $0x38;
	[tilespmem:$0x1F800] =	vst v63  }
0x49: {  	_ =	swait.ge @p0 [sflag:s18], $0x3C00  }
0x4a: {  	[sflag:s18] =	ssyncset.done @p0 $0x0  }
0x4b: {  	s19 =	rddreg [dreg:$0xd];
	[sflag:s18] =	ssyncadd.s32 @p0 $0xFFFFC400  }
0x4c: {  	[spmem:s19] =	stream.linear.scatter @p0 [tilespmem:s17], [sflag:$0x5], $0x3C00, $0x38;
	[tilespmem:$0x1F800] =	vst v63  }
0x4d: {  	_ =	swait.ge @p0 [sflag:s18], $0x3C00  }
0x4e: {  	[sflag:s18] =	ssyncset.done @p0 $0x0  }
0x4f: {  	s19 =	rddreg [dreg:$0xe];
	[sflag:s18] =	ssyncadd.s32 @p0 $0xFFFFC400  }
0x50: {  	[spmem:s19] =	stream.linear.scatter @p0 [tilespmem:s17], [sflag:$0x5], $0x3C00, $0x38;
	[tilespmem:$0x1F800] =	vst v63  }
0x51: {  	_ =	swait.ge @p0 [sflag:s18], $0x3C00  }
0x52: {  	[sflag:s18] =	ssyncset.done @p0 $0x0  }
0x53: {  	s19 =	rddreg [dreg:$0xf];
	[sflag:s18] =	ssyncadd.s32 @p0 $0xFFFFC400  }
0x54: {  	[spmem:s19] =	stream.linear.scatter @p0 [tilespmem:s17], [sflag:$0x5], $0x3C00, $0x38;
	[tilespmem:$0x1F800] =	vst v63  }
0x55: {  	_ =	swait.ge @p0 [sflag:s18], $0x3C00  }
0x56: {  	[sflag:s18] =	ssyncset.done @p0 $0x0  }
0x57: {  	s19 =	rddreg [dreg:$0x10];
	[sflag:s18] =	ssyncadd.s32 @p0 $0xFFFFC400  }
0x58: {  	[spmem:s19] =	stream.linear.scatter @p0 [tilespmem:s17], [sflag:$0x5], $0x1800, $0x38;
	[tilespmem:$0x1F800] =	vst v63  }
0x59: {  	_ =	swait.ge @p0 [sflag:s18], $0x1800  }
0x5a: {  	[sflag:s18] =	ssyncset.done @p0 $0x0  }
0x5b: {  	s17 =	simm.s32 @!p0 $0xB40;
	[sflag:s18] =	ssyncadd.s32 @p0 $0xFFFFE800;
	s18 =	rddreg [dreg:$0x5]  }
0x5c: {  	[spmem:s18] =	stream.linear.scatter @!p0 [tilespmem:s17], [sflag:$0x5], $0x3C00, $0x38;
	[tilespmem:$0x1F800] =	vst v63  }
0x5d: {  	s18 =	simm.s32 @!p0 $0x5  }
0x5e: {  	_ =	swait.ge @!p0 [sflag:s18], $0x3C00  }
0x5f: {  	[sflag:s18] =	ssyncset.done @!p0 $0x0  }
0x60: {  	s19 =	rddreg [dreg:$0x6];
	[sflag:s18] =	ssyncadd.s32 @!p0 $0xFFFFC400  }
0x61: {  	[spmem:s19] =	stream.linear.scatter @!p0 [tilespmem:s17], [sflag:$0x5], $0x3C00, $0x38;
	[tilespmem:$0x1F800] =	vst v63  }
0x62: {  	_ =	swait.ge @!p0 [sflag:s18], $0x3C00  }
0x63: {  	[sflag:s18] =	ssyncset.done @!p0 $0x0  }
0x64: {  	s19 =	rddreg [dreg:$0x7];
	[sflag:s18] =	ssyncadd.s32 @!p0 $0xFFFFC400  }
0x65: {  	[spmem:s19] =	stream.linear.scatter @!p0 [tilespmem:s17], [sflag:$0x5], $0x3C00, $0x38;
	[tilespmem:$0x1F800] =	vst v63  }
0x66: {  	_ =	swait.ge @!p0 [sflag:s18], $0x3C00  }
0x67: {  	[sflag:s18] =	ssyncset.done @!p0 $0x0  }
0x68: {  	s19 =	rddreg [dreg:$0x8];
	[sflag:s18] =	ssyncadd.s32 @!p0 $0xFFFFC400  }
0x69: {  	[spmem:s19] =	stream.linear.scatter @!p0 [tilespmem:s17], [sflag:$0x5], $0x3C00, $0x38;
	[tilespmem:$0x1F800] =	vst v63  }
0x6a: {  	_ =	swait.ge @!p0 [sflag:s18], $0x3C00  }
0x6b: {  	[sflag:s18] =	ssyncset.done @!p0 $0x0  }
0x6c: {  	s19 =	rddreg [dreg:$0x9];
	[sflag:s18] =	ssyncadd.s32 @!p0 $0xFFFFC400  }
0x6d: {  	[spmem:s19] =	stream.linear.scatter @!p0 [tilespmem:s17], [sflag:$0x5], $0x3C00, $0x38;
	[tilespmem:$0x1F800] =	vst v63  }
0x6e: {  	_ =	swait.ge @!p0 [sflag:s18], $0x3C00  }
0x6f: {  	[sflag:s18] =	ssyncset.done @!p0 $0x0  }
0x70: {  	s19 =	rddreg [dreg:$0xa];
	[sflag:s18] =	ssyncadd.s32 @!p0 $0xFFFFC400  }
0x71: {  	[spmem:s19] =	stream.linear.scatter @!p0 [tilespmem:s17], [sflag:$0x5], $0xC00, $0x38;
	[tilespmem:$0x1F800] =	vst v63  }
0x72: {  	_ =	swait.ge @!p0 [sflag:s18], $0xC00  }
0x73: {  	[sflag:s18] =	ssyncset.done @!p0 $0x0  }
0x74: {  	[sflag:s18] =	ssyncadd.s32 @!p0 $0xFFFFF400  }
0x75: {  	[bflag:$0x0] =	sbarrier.arrive $0xFFFF  }
0x76: {  	s17 =	simm.s32 $0x0;
	s19 =	rddreg [dreg:$0x12]  }
0x77: {  	[tilespmem:s17], [sflag:$0x4] =	stream.linear.gather [hbm4b:s19+s17], $0x2D0, $0x38;
	[tilespmem:$0x1F800] =	vst v63  }
0x78: {  	s21 =	simm.s32 $0x2D0;
	s20 =	rddreg [dreg:$0x13]  }
0x79: {  	[tilespmem:s21], [sflag:$0x4] =	stream.linear.gather [hbm4b:s20+s17], $0x2D0, $0x38;
	[tilespmem:$0x1F800] =	vst v63  }
0x7a: {  	_ =	swait.ge [sflag:s28], $0x2D0  }
0x7b: {  	[sflag:s28] =	ssyncset.done $0x0  }
0x7c: {  	[sflag:s28] =	ssyncadd.s32 $0xFFFFFD30  }
0x7d: {  	_ =	swait.ge [sflag:s28], $0x2D0  }
.Ltmp3:
0x7e: {  	[sflag:s28] =	ssyncset.done $0x0;
	(pc) =	sbr.rel .LBB2_4-.Ltmp3, $4  }
0x7f: {  	[sflag:s28] =	ssyncadd.s32 $0xFFFFFD30  }
0x80: {  	[tilespmem:s30], [sflag:$0x1] =	stream.indirect.gather [hbm4b:s2+s29], $0x80, s21, s29, $0xb8;
	[tilespmem:$0x1F800] =	vst v63  }
0x81: {  	s26 =	simm.s32 $0x348;
	s18 =	rddreg [dreg:$0x16]  }
0x82: {  	[tilespmem:s0], [sflag:$0x2] =	stream.indirect.gather [hbm4b:s2+s29], $0x80, s26, s29, $0xb8;
	[tilespmem:$0x1F800] =	vst v63  }
.LBB2_6:
0x83: {  	p1 =	seq.s32 s17, $0x1B  }
0x84: {  	s19 =	sshrl.u32 @!p1 s18, $0x3  }
0x85: {  	s21 =	simm.s32 @!p1 $0x0;
	s20 =	sadd.s32 @!p1 s6, s19  }
0x86: {  	[tilespmem:s21], [sflag:$0x4] =	stream.linear.gather @!p1 [hbm4b:s20+s21], $0x2D0, $0x38;
	[tilespmem:$0x1F800] =	vst v63  }
0x87: {  	s19 =	sadd.s32 @!p1 s3, s19;
	s20 =	simm.s32 @!p1 $0x2D0  }
0x88: {  	[tilespmem:s20], [sflag:$0x4] =	stream.linear.gather @!p1 [hbm4b:s19+s21], $0x2D0, $0x38;
	[tilespmem:$0x1F800] =	vst v63  }
0x89: {  	_ = 	snop  }
0x8a: {  	[tilespmem:s9], [sflag:$0x3] =	stream.indirect.gather [hbm4b:s2+s29], $0x80, s22, s29, $0xb8;
	[tilespmem:$0x1F800] =	vst v63  }
0x8b: {  	_ =	swait.ge [sflag:s10], $0x3C00  }
0x8c: {  	[sflag:s10] =	ssyncset.done $0x0  }
0x8d: {  	[sflag:s10] =	ssyncadd.s32 $0xFFFFC400  }
0x8e: {  	[spmem:s4] =	stream.indirect.scatter.add.f32 [tilespmem:s30], [sflag:$0x6], $0x80, s1, s29, $0xb8;
	[tilespmem:$0x1F800] =	vst v63  }
0x8f: {  	_ =	swait.ge [sflag:s11], $0x3C00  }
0x90: {  	[sflag:s11] =	ssyncset.done $0x0  }
0x91: {  	[sflag:s11] =	ssyncadd.s32 $0xFFFFC400  }
0x92: {  	[tilespmem:s30], [sflag:$0x1] =	stream.indirect.gather [hbm4b:s2+s29], $0x80, s23, s29, $0xb8;
	[tilespmem:$0x1F800] =	vst v63  }
0x93: {  	_ =	swait.ge [sflag:s14], $0x3C00  }
0x94: {  	[sflag:s14] =	ssyncset.done $0x0  }
0x95: {  	[sflag:s14] =	ssyncadd.s32 $0xFFFFC400  }
0x96: {  	[spmem:s4] =	stream.indirect.scatter.add.f32 [tilespmem:s0], [sflag:$0x6], $0x80, s25, s29, $0xb8;
	[tilespmem:$0x1F800] =	vst v63  }
0x97: {  	_ =	swait.ge [sflag:s11], $0x3C00  }
0x98: {  	[sflag:s11] =	ssyncset.done $0x0  }
0x99: {  	[sflag:s11] =	ssyncadd.s32 $0xFFFFC400  }
0x9a: {  	[tilespmem:s0], [sflag:$0x2] =	stream.indirect.gather [hbm4b:s2+s29], $0x80, s24, s29, $0xb8;
	[tilespmem:$0x1F800] =	vst v63  }
0x9b: {  	_ =	swait.ge [sflag:s16], $0x3C00  }
0x9c: {  	[sflag:s16] =	ssyncset.done $0x0  }
0x9d: {  	[sflag:s16] =	ssyncadd.s32 $0xFFFFC400  }
0x9e: {  	[spmem:s4] =	stream.indirect.scatter.add.f32 [tilespmem:s9], [sflag:$0x6], $0x80, s7, s29, $0xb8;
	[tilespmem:$0x1F800] =	vst v63  }
0x9f: {  	_ =	swait.ge [sflag:s11], $0x3C00  }
0xa0: {  	[sflag:s11] =	ssyncset.done $0x0  }
0xa1: {  	[sflag:s11] =	ssyncadd.s32 $0xFFFFC400  }
0xa2: {  	[tilespmem:s9], [sflag:$0x3] =	stream.indirect.gather [hbm4b:s2+s29], $0x80, s13, s29, $0xb8;
	[tilespmem:$0x1F800] =	vst v63  }
0xa3: {  	_ =	swait.ge [sflag:s10], $0x3C00  }
0xa4: {  	[sflag:s10] =	ssyncset.done $0x0  }
0xa5: {  	[sflag:s10] =	ssyncadd.s32 $0xFFFFC400  }
0xa6: {  	[spmem:s4] =	stream.indirect.scatter.add.f32 [tilespmem:s30], [sflag:$0x6], $0x80, s8, s29, $0xb8;
	[tilespmem:$0x1F800] =	vst v63  }
0xa7: {  	_ =	swait.ge [sflag:s11], $0x3C00  }
0xa8: {  	[sflag:s11] =	ssyncset.done $0x0  }
0xa9: {  	s19 =	simm.s32 @p1 $0x2;
	[sflag:s11] =	ssyncadd.s32 $0xFFFFC400  }
0xaa: {  	_ =	swait.ge @p1 [sflag:s19], $0x3C00  }
0xab: {  	s26 =	simm.s32 @p1 $0x4740;
	[sflag:s19] =	ssyncset.done @p1 $0x0  }
0xac: {  	s21 =	simm.s32 @p1 $0x780;
	[sflag:s19] =	ssyncadd.s32 @p1 $0xFFFFC400;
	s19 =	simm.s32 @p1 $0x78  }
0xad: {  	[spmem:s4] =	stream.indirect.scatter.add.f32 @p1 [tilespmem:s26], [sflag:$0x6], $0x80, s21, s19, $0xb8;
	[tilespmem:$0x1F800] =	vst v63  }
0xae: {  	s19 =	simm.s32 @p1 $0x6  }
0xaf: {  	_ =	swait.ge @p1 [sflag:s19], $0x3C00  }
0xb0: {  	[sflag:s19] =	ssyncset.done @p1 $0x0  }
0xb1: {  	[sflag:s19] =	ssyncadd.s32 @p1 $0xFFFFC400;
	s19 =	simm.s32 @!p1 $0x4  }
0xb2: {  	_ =	swait.ge @!p1 [sflag:s19], $0x2D0  }
0xb3: {  	[sflag:s19] =	ssyncset.done @!p1 $0x0  }
0xb4: {  	[sflag:s19] =	ssyncadd.s32 @!p1 $0xFFFFFD30  }
0xb5: {  	_ =	swait.ge @!p1 [sflag:s19], $0x2D0  }
0xb6: {  	[sflag:s19] =	ssyncset.done @!p1 $0x0  }
0xb7: {  	s21 =	simm.s32 @!p1 $0xB40;
	[sflag:s19] =	ssyncadd.s32 @!p1 $0xFFFFFD30;
	s19 =	simm.s32 @!p1 $0x78  }
0xb8: {  	[tilespmem:s21], [sflag:$0x1] =	stream.indirect.gather @!p1 [hbm4b:s2+s19], $0x80, s20, s19, $0xb8;
	[tilespmem:$0x1F800] =	vst v63  }
0xb9: {  	s20 =	simm.s32 @!p1 $0x2  }
0xba: {  	_ =	swait.ge @!p1 [sflag:s20], $0x3C00  }
0xbb: {  	[sflag:s20] =	ssyncset.done @!p1 $0x0  }
0xbc: {  	s21 =	simm.s32 @!p1 $0x4740;
	[sflag:s20] =	ssyncadd.s32 @!p1 $0xFFFFC400;
	s20 =	simm.s32 @!p1 $0x780  }
0xbd: {  	[spmem:s4] =	stream.indirect.scatter.add.f32 @!p1 [tilespmem:s21], [sflag:$0x6], $0x80, s20, s19, $0xb8;
	[tilespmem:$0x1F800] =	vst v63  }
0xbe: {  	s20 =	simm.s32 @!p1 $0x6  }
0xbf: {  	_ =	swait.ge @!p1 [sflag:s20], $0x3C00  }
0xc0: {  	[sflag:s20] =	ssyncset.done @!p1 $0x0  }
0xc1: {  	[sflag:s20] =	ssyncadd.s32 @!p1 $0xFFFFC400;
	s20 =	simm.s32 @!p1 $0x348  }
0xc2: {  	[tilespmem:s21], [sflag:$0x2] =	stream.indirect.gather @!p1 [hbm4b:s2+s19], $0x80, s20, s19, $0xb8;
	[tilespmem:$0x1F800] =	vst v63  }
0xc3: {  	_ =	swait.ge [sflag:s16], $0x3C00  }
0xc4: {  	[sflag:s16] =	ssyncset.done $0x0  }
0xc5: {  	[sflag:s16] =	ssyncadd.s32 $0xFFFFC400  }
0xc6: {  	[spmem:s4] =	stream.indirect.scatter.add.f32 [tilespmem:s9], [sflag:$0x5], $0x80, s12, s29, $0xb8;
	[tilespmem:$0x1F800] =	vst v63  }
0xc7: {  	_ =	swait.ge [sflag:s15], $0x3C00  }
0xc8: {  	[sflag:s15] =	ssyncset.done $0x0  }
0xc9: {  	[sflag:s15] =	ssyncadd.s32 $0xFFFFC400  }
.LBB2_7:
0xca: {  	s17 =	sadd.s32 $0x1, s17  }
0xcb: {  	p1 =	sne.s32 s17, $0x1C  }
.Ltmp4:
0xcc: {  	_ = 	snop;
	(pc) =	sbr.rel @!p1 .LBB2_8-.Ltmp4, $2  }
0xcd: {  	_ =	sdelay $0x2  }
0xce: {  	s18 =	sadd.s32 $0x2D0, s18  }
.LBB2_4:
0xcf: {  	s19 =	sand.u32 $0x1, s17  }
0xd0: {  	p1 =	seq.s32 s19, $0x1  }
.Ltmp5:
0xd1: {  	_ = 	snop;
	(pc) =	sbr.rel @p1 .LBB2_6-.Ltmp5, $1  }
0xd2: {  	_ =	sdelay $0x3  }
0xd3: {  	s19 =	sshrl.u32 s18, $0x3  }
0xd4: {  	s20 =	sadd.s32 s6, s19  }
0xd5: {  	[tilespmem:s1], [sflag:$0x4] =	stream.linear.gather [hbm4b:s20+s5], $0x2D0, $0x38;
	[tilespmem:$0x1F800] =	vst v63  }
0xd6: {  	s19 =	sadd.s32 s3, s19  }
0xd7: {  	[tilespmem:s31], [sflag:$0x4] =	stream.linear.gather [hbm4b:s19+s5], $0x2D0, $0x38;
	[tilespmem:$0x1F800] =	vst v63  }
0xd8: {  	s20 =	simm.s32 $0x3C0  }
0xd9: {  	[tilespmem:s9], [sflag:$0x3] =	stream.indirect.gather [hbm4b:s2+s29], $0x80, s20, s29, $0xb8;
	[tilespmem:$0x1F800] =	vst v63  }
0xda: {  	_ =	swait.ge [sflag:s10], $0x3C00  }
0xdb: {  	[sflag:s10] =	ssyncset.done $0x0  }
0xdc: {  	[sflag:s10] =	ssyncadd.s32 $0xFFFFC400  }
0xdd: {  	[spmem:s4] =	stream.indirect.scatter.add.f32 [tilespmem:s30], [sflag:$0x6], $0x80, s5, s29, $0xb8;
	[tilespmem:$0x1F800] =	vst v63  }
0xde: {  	_ =	swait.ge [sflag:s11], $0x3C00  }
0xdf: {  	[sflag:s11] =	ssyncset.done $0x0  }
0xe0: {  	s21 =	simm.s32 $0x438;
	[sflag:s11] =	ssyncadd.s32 $0xFFFFC400  }
0xe1: {  	[tilespmem:s30], [sflag:$0x1] =	stream.indirect.gather [hbm4b:s2+s29], $0x80, s21, s29, $0xb8;
	[tilespmem:$0x1F800] =	vst v63  }
0xe2: {  	_ =	swait.ge [sflag:s14], $0x3C00  }
0xe3: {  	[sflag:s14] =	ssyncset.done $0x0  }
0xe4: {  	[sflag:s14] =	ssyncadd.s32 $0xFFFFC400  }
0xe5: {  	[spmem:s4] =	stream.indirect.scatter.add.f32 [tilespmem:s0], [sflag:$0x6], $0x80, s29, s29, $0xb8;
	[tilespmem:$0x1F800] =	vst v63  }
0xe6: {  	_ =	swait.ge [sflag:s11], $0x3C00  }
0xe7: {  	[sflag:s11] =	ssyncset.done $0x0  }
0xe8: {  	s26 =	simm.s32 $0x4B0;
	[sflag:s11] =	ssyncadd.s32 $0xFFFFC400  }
0xe9: {  	[tilespmem:s0], [sflag:$0x2] =	stream.indirect.gather [hbm4b:s2+s29], $0x80, s26, s29, $0xb8;
	[tilespmem:$0x1F800] =	vst v63  }
0xea: {  	_ =	swait.ge [sflag:s16], $0x3C00  }
0xeb: {  	[sflag:s16] =	ssyncset.done $0x0  }
0xec: {  	s20 =	simm.s32 $0xF0;
	[sflag:s16] =	ssyncadd.s32 $0xFFFFC400  }
0xed: {  	[spmem:s4] =	stream.indirect.scatter.add.f32 [tilespmem:s9], [sflag:$0x6], $0x80, s20, s29, $0xb8;
	[tilespmem:$0x1F800] =	vst v63  }
0xee: {  	_ =	swait.ge [sflag:s11], $0x3C00  }
0xef: {  	[sflag:s11] =	ssyncset.done $0x0  }
0xf0: {  	s21 =	simm.s32 $0x528;
	[sflag:s11] =	ssyncadd.s32 $0xFFFFC400  }
0xf1: {  	[tilespmem:s9], [sflag:$0x3] =	stream.indirect.gather [hbm4b:s2+s29], $0x80, s21, s29, $0xb8;
	[tilespmem:$0x1F800] =	vst v63  }
0xf2: {  	_ =	swait.ge [sflag:s10], $0x3C00  }
0xf3: {  	[sflag:s10] =	ssyncset.done $0x0  }
0xf4: {  	s26 =	simm.s32 $0x168;
	[sflag:s10] =	ssyncadd.s32 $0xFFFFC400  }
0xf5: {  	[spmem:s4] =	stream.indirect.scatter.add.f32 [tilespmem:s30], [sflag:$0x6], $0x80, s26, s29, $0xb8;
	[tilespmem:$0x1F800] =	vst v63  }
0xf6: {  	_ =	swait.ge [sflag:s11], $0x3C00  }
0xf7: {  	[sflag:s11] =	ssyncset.done $0x0  }
0xf8: {  	[sflag:s11] =	ssyncadd.s32 $0xFFFFC400  }
0xf9: {  	_ =	swait.ge [sflag:s28], $0x2D0  }
0xfa: {  	[sflag:s28] =	ssyncset.done $0x0  }
0xfb: {  	[sflag:s28] =	ssyncadd.s32 $0xFFFFFD30  }
0xfc: {  	_ =	swait.ge [sflag:s28], $0x2D0  }
0xfd: {  	[sflag:s28] =	ssyncset.done $0x0  }
0xfe: {  	[sflag:s28] =	ssyncadd.s32 $0xFFFFFD30  }
0xff: {  	[tilespmem:s30], [sflag:$0x1] =	stream.indirect.gather [hbm4b:s2+s29], $0x80, s31, s29, $0xb8;
	[tilespmem:$0x1F800] =	vst v63  }
0x100: {  	_ =	swait.ge [sflag:s14], $0x3C00  }
0x101: {  	[sflag:s14] =	ssyncset.done $0x0  }
0x102: {  	s20 =	simm.s32 $0x1E0;
	[sflag:s14] =	ssyncadd.s32 $0xFFFFC400  }
0x103: {  	[spmem:s4] =	stream.indirect.scatter.add.f32 [tilespmem:s0], [sflag:$0x6], $0x80, s20, s29, $0xb8;
	[tilespmem:$0x1F800] =	vst v63  }
0x104: {  	_ =	swait.ge [sflag:s11], $0x3C00  }
0x105: {  	[sflag:s11] =	ssyncset.done $0x0  }
0x106: {  	s21 =	simm.s32 $0x8E8;
	[sflag:s11] =	ssyncadd.s32 $0xFFFFC400  }
0x107: {  	[tilespmem:s0], [sflag:$0x2] =	stream.indirect.gather [hbm4b:s2+s29], $0x80, s21, s29, $0xb8;
	[tilespmem:$0x1F800] =	vst v63  }
0x108: {  	_ =	swait.ge [sflag:s16], $0x3C00  }
0x109: {  	[sflag:s16] =	ssyncset.done $0x0  }
.Ltmp6:
0x10a: {  	s26 =	simm.s32 $0x258;
	[sflag:s16] =	ssyncadd.s32 $0xFFFFC400;
	(pc) =	sbr.rel .LBB2_7-.Ltmp6, $4  }
0x10b: {  	[spmem:s4] =	stream.indirect.scatter.add.f32 [tilespmem:s9], [sflag:$0x6], $0x80, s26, s29, $0xb8;
	[tilespmem:$0x1F800] =	vst v63  }
0x10c: {  	_ =	swait.ge [sflag:s11], $0x3C00  }
0x10d: {  	[sflag:s11] =	ssyncset.done $0x0  }
0x10e: {  	[sflag:s11] =	ssyncadd.s32 $0xFFFFC400  }
.LBB2_9:
0x10f: {  	_ =	sfence.sel $0x180000  }
0x110: {  	[bflag:$0x0] =	sbarrier.arrive $0xFFFF  }
0x111: {  	_ =	strace $0x90000047  }
0x112: {  	s0 =	stileid.u32;
	[bflag:$0x2] =	sbarrier.arrive $0xFFFF  }
0x113: {  	p0 =	sne.s32 s0, $0x0;
	s0 =	rddreg [dreg:$0x4]  }
0x114: {  	s0 =	sadd.s32 @!p0 $0x100000, s0  }
0x115: {  	[sflag:s0] =	ssyncadd.tile.s32 @!p0 $0x1;
	_ =	shalt  }
.Lfunc_end2:
_tile_overlayer_lowered:
.L_overlay_start_2:
0x116: {  	(tag) =	ssettag $0x2  }
0x117: {  	s0 =	rddreg [dreg:$0x0];
	s2 =	stileid.u32  }
0x118: {  	s1 =	rddreg [dreg:$0x1];
	p0 =	sne.s32 s2, $0x0  }
0x119: {  	s3 =	rddreg [dreg:$0x2];
	[bflag:$0x3] =	sbarrier.arrive $0xFFFF;
	s2 =	simm.s32 @!p0 $0x1C05  }
0x11a: {  	[timem:s3], [sflag:s2] =	dma.local @!p0 [hbm:s0], s1  }
0x11b: {  	s0 =	simm.s32 @!p0 $0x5  }
0x11c: {  	_ =	swait.ge @!p0 [sflag:s0], s1  }
0x11d: {  	s1 =	ssub.s32 @!p0 $0x0, s1;
	[sflag:s0] =	ssyncset.done @!p0 $0x0  }
0x11e: {  	[sflag:s0] =	ssyncadd.s32 @!p0 s1  }
0x11f: {  	[bflag:$0x3] =	sbarrier.arrive $0xFFFF  }
0x120: {  	_ =	shalt  }

</sc_bundles>
